<compile_context>
chip_gen: v7x
topology: tpu7x:2x2x1
jax: 0.10.2.dev20260603
libtpu: 0.0.44.dev20260713+nightly
codegen_flags: <defaults>
</compile_context>

<pallas_src>
import functools

import jax
import jax.numpy as jnp
from jax import lax
from jax.experimental import pallas as pl
from jax.experimental.pallas import tpu as pltpu
from jax.experimental.pallas import tpu_sc as plsc

NC = 2
NS = 16
NW = NC * NS
BV = 1024
CH = 512
UNROLL = 8


def _make_sc_segment_sum(Vp, Ep):
    Q = Vp // 4
    assert Vp % (4 * BV) == 0
    assert Ep % (8 * CH) == 0
    n_half = (Ep // 2) // CH
    n_eighth = (Ep // 8) // CH
    assert n_half % 2 == 0 and n_eighth % 2 == 0
    groups = CH // (16 * UNROLL)
    mesh = plsc.VectorSubcoreMesh(core_axis_name="c", subcore_axis_name="s",
                                  num_cores=NC, num_subcores=NS)

    @functools.partial(
        pl.kernel,
        out_type=(jax.ShapeDtypeStruct((3, 2, Vp), jnp.float32),
                  jax.ShapeDtypeStruct((8, Vp), jnp.float32)),
        mesh=mesh,
        scratch_types=dict(
            buf1=pltpu.VMEM((Vp,), jnp.float32),
            acc_q=pltpu.VMEM((Q,), jnp.float32),
            src_b=pltpu.VMEM((2, CH), jnp.int32),
            dst_b=pltpu.VMEM((2, CH), jnp.int32),
            sems=pltpu.SemaphoreType.DMA((2, 2)),
        ),
        compiler_params=pltpu.CompilerParams(use_tc_tiling_on_sc=False,
                                             needs_layout_passes=False),
    )
    def seg_sum(vertsT_hbm, src_hbm, dst_hbm, zeros_hbm,
                coords_out, degs_out, buf1, acc_q, src_b, dst_b, sems):
        cid = lax.axis_index("c")
        sid = lax.axis_index("s")
        wid = cid * NS + sid

        def start(slot, base):
            pltpu.async_copy(src_hbm.at[pl.ds(base, CH)], src_b.at[slot],
                             sems.at[slot, 0])
            pltpu.async_copy(dst_hbm.at[pl.ds(base, CH)], dst_b.at[slot],
                             sems.at[slot, 1])

        def wait(slot):
            pltpu.make_async_copy(src_hbm.at[pl.ds(0, CH)], src_b.at[slot],
                                  sems.at[slot, 0]).wait()
            pltpu.make_async_copy(dst_hbm.at[pl.ds(0, CH)], dst_b.at[slot],
                                  sems.at[slot, 1]).wait()

        def run_chunks(base0, n_chunks, compute):
            start(0, base0)

            def body(i2, carry):
                c0 = 2 * i2
                start(1, base0 + (c0 + 1) * CH)
                wait(0)
                compute(0)

                @pl.when(c0 + 2 < n_chunks)
                def _():
                    start(0, base0 + (c0 + 2) * CH)

                wait(1)
                compute(1)
                return carry

            lax.fori_loop(0, n_chunks // 2, body, 0)

        @pl.when(wid < 24)
        def _coord_tile():
            k = wid // 8
            r = wid % 8
            q = r // 2
            t = r % 2
            lo = q * Q
            pltpu.sync_copy(vertsT_hbm.at[k], buf1)
            pltpu.sync_copy(zeros_hbm.at[pl.ds(0, Q)], acc_q)

            def compute(slot):
                def group(g, c2):
                    for u in range(UNROLL):
                        off = (g * UNROLL + u) * 16
                        s = src_b[slot, pl.ds(off, 16)]
                        d = dst_b[slot, pl.ds(off, 16)]
                        xs = plsc.load_gather(buf1, [s])
                        xd = plsc.load_gather(buf1, [d])
                        for cc, xn in ((s, xd), (d, xs)):
                            ci = cc - lo
                            m = ci.astype(jnp.uint32) < jnp.uint32(Q)
                            ci = jnp.where(m, ci, 0)
                            plsc.addupdate_scatter(acc_q, [ci], xn, mask=m)
                    return c2

                lax.fori_loop(0, groups, group, 0)

            run_chunks(t * (Ep // 2), n_half, compute)
            pltpu.sync_copy(acc_q, coords_out.at[k, t, pl.ds(lo, Q)])

        @pl.when(wid >= 24)
        def _deg_tile():
            d8 = wid - 24
            pltpu.sync_copy(zeros_hbm, buf1)
            ones = jnp.full((16,), 1.0, dtype=jnp.float32)

            def compute(slot):
                def group(g, c2):
                    for u in range(UNROLL):
                        off = (g * UNROLL + u) * 16
                        s = src_b[slot, pl.ds(off, 16)]
                        d = dst_b[slot, pl.ds(off, 16)]
                        plsc.addupdate_scatter(buf1, [s], ones)
                        plsc.addupdate_scatter(buf1, [d], ones)
                    return c2

                lax.fori_loop(0, groups, group, 0)

            run_chunks(d8 * (Ep // 8), n_eighth, compute)
            pltpu.sync_copy(buf1, degs_out.at[d8])

    return seg_sum


def _make_tc_body(V):
    def body(cb_ref, db_ref, vt_ref, lt_ref, wt_ref, b_ref, out_ref, mx_ref):
        phase = pl.program_id(0)
        i = pl.program_id(1)

        @pl.when(jnp.logical_and(phase == 0, i == 0))
        def _():
            mx_ref[0] = 0.0

        @pl.when(phase == 0)
        def _():
            deg = jnp.sum(db_ref[...], axis=0)
            pos = i * BV + lax.broadcasted_iota(jnp.int32, (BV,), 0)
            deg = jnp.where(pos < V, deg, 0.0)
            mx_ref[0] = jnp.maximum(mx_ref[0], jnp.max(deg))

        @pl.when(phase == 1)
        def _():
            cb = cb_ref[...]
            nb = cb[:, 0, :] + cb[:, 1, :]
            deg = jnp.sum(db_ref[...], axis=0,
                          keepdims=True)
            agg = nb - deg * vt_ref[...]
            lt = lt_ref[...]
            rot_rows = []
            for k in range(3):
                lk = jnp.concatenate(
                    [lt[k:k + 1], lt[3 + k:4 + k], lt[6 + k:7 + k]], axis=0)
                rot_rows.append(jnp.sum(agg * lk, axis=0, keepdims=True))
            rot_t = jnp.concatenate(rot_rows, axis=0)
            out = lax.dot_general(
                rot_t, wt_ref[...], (((0,), (0,)), ((), ())),
                preferred_element_type=jnp.float32)
            out_ref[...] = out + mx_ref[0] * b_ref[...]

    return body


def _make_tc_finish(V, Vp, D_OUT):
    assert Vp % BV == 0
    nb = (V + BV - 1) // BV
    assert nb * BV <= Vp
    return pl.pallas_call(
        _make_tc_body(V),
        grid=(2, nb),
        in_specs=[
            pl.BlockSpec((3, 2, BV), lambda p, i: (0, 0, i * p)),
            pl.BlockSpec((8, BV), lambda p, i: (0, i)),
            pl.BlockSpec((3, BV), lambda p, i: (0, i * p)),
            pl.BlockSpec((9, BV), lambda p, i: (0, i * p)),
            pl.BlockSpec((3, D_OUT), lambda p, i: (0, 0)),
            pl.BlockSpec((1, D_OUT), lambda p, i: (0, 0)),
        ],
        out_specs=pl.BlockSpec((BV, D_OUT), lambda p, i: (i * p, 0)),
        out_shape=jax.ShapeDtypeStruct((V, D_OUT), jnp.float32),
        scratch_shapes=[pltpu.SMEM((1,), jnp.float32)],
    )


def kernel(verts, edges, lrf, W, b):
    V = verts.shape[0]
    E = edges.shape[0]
    D_OUT = W.shape[0]

    Vp = ((V + 4 * BV) // (4 * BV)) * (4 * BV)
    Ep = ((E + 8 * CH - 1) // (8 * CH)) * (8 * CH)

    vertsT = jnp.zeros((3, Vp), dtype=jnp.float32).at[:, :V].set(verts.T)
    src = jnp.full((Ep,), V, dtype=jnp.int32).at[:E].set(edges[:, 0])
    dst = jnp.full((Ep,), V, dtype=jnp.int32).at[:E].set(edges[:, 1])
    zeros = jnp.zeros((Vp,), dtype=jnp.float32)

    seg_sum = _make_sc_segment_sum(Vp, Ep)
    coords, degs = seg_sum(vertsT, src, dst, zeros)

    lt = jnp.zeros((9, Vp), dtype=jnp.float32).at[:, :V].set(
        lrf.reshape(V, 9).T)

    finish = _make_tc_finish(V, Vp, D_OUT)
    return finish(coords, degs, vertsT, lt, W.T, b.reshape(1, D_OUT))

# --- scband reference (transcript-rebuilt; emitter-appended) ---
"""Pipeline reference for scband-lrfgraph-conv-89988154785967 (READ-ONLY COPY).

The authoritative reference and input builder live on the scoring server;
editing this copy changes nothing except your own understanding.
"""

import jax, jax.numpy as jnp
import numpy as np

V = 100000
E = 3200000
D_OUT = 128


def setup_inputs(seed: int = 0) -> dict:
    key = jax.random.key(seed)
    k1, k2, k3, k4 = jax.random.split(key, 4)
    verts = jax.random.normal(k1, (V, 3), dtype=jnp.float32)
    edges = jax.random.randint(k2, (E, 2), 0, V, dtype=jnp.int32)
    lrf = jax.random.normal(k3, (V, 3, 3), dtype=jnp.float32)
    # nn.Linear(3, 128) params; init='normal' -> weight ~ N(0, 0.01), bias = 0
    W = jax.random.normal(k4, (D_OUT, 3), dtype=jnp.float32) * 0.01
    b = jnp.zeros((D_OUT,), dtype=jnp.float32)
    return {"verts": verts, "edges": edges, "lrf": lrf, "W": W, "b": b}


def reference(verts, edges, lrf, W, b):
    # Faithful translation of LRFGraphConv.forward.
    # The torch code builds a padded adjacency (V, max_deg) with pad index V
    # pointing at an appended zero vertex. Padded slots produce
    # trans = 0 - 0 = 0, rot = 0, w0(0) = bias, so each of the max_deg slots
    # (real or padded) contributes the bias exactly once. Real slots contribute
    # ((x_u - x_v) @ lrf_v) @ W^T. Since Linear and the neighbor-sum commute,
    # out[v] = (sum_u (x_u - x_v)) @ lrf_v @ W^T + max_deg * b.
    n = verts.shape[0]
    src = edges[:, 0]
    dst = edges[:, 1]
    # cat_edges = edges ++ flipped(edges): every edge contributes both directions
    centers = jnp.concatenate([src, dst])
    neighbors = jnp.concatenate([dst, src])
    deg = jnp.bincount(centers, length=n)
    max_deg = jnp.max(deg)  # padded adjacency width
    nb_sum = jax.ops.segment_sum(jnp.take(verts, neighbors, axis=0), centers, num_segments=n)
    agg = nb_sum - deg[:, None].astype(verts.dtype) * verts  # sum_u (x_u - x_v)
    rot = jnp.einsum('vd,vdk->vk', agg, lrf)  # rotate into local reference frame
    out = rot @ W.T + max_deg.astype(verts.dtype) * b
    return out


if False:  # reference __main__ guard neutralized (emitter)
    inp = setup_inputs()
    out = reference(**inp)
    print(out.shape, out.dtype)

if __name__ == "__main__":
    import jax
    _d = setup_inputs()
    print(jax.jit(kernel)(*tuple(_d.values())))

</pallas_src>

<mosaic_0001>
#map = affine_map<(d0, d1) -> (0, 0)>
#map1 = affine_map<(d0, d1) -> (0)>
#map2 = affine_map<(d0, d1) -> (0, 0, 0)>
module attributes {stable_mosaic.version = 14 : i64} {
  func.func @seg_sum(%arg0: i32, %arg1: i32, %arg2: memref<3x102400xf32, #tpu.memory_space<hbm>>, %arg3: memref<3203072xi32, #tpu.memory_space<hbm>>, %arg4: memref<3203072xi32, #tpu.memory_space<hbm>>, %arg5: memref<102400xf32, #tpu.memory_space<hbm>>, %arg6: memref<3x2x102400xf32, #tpu.memory_space<hbm>>, %arg7: memref<8x102400xf32, #tpu.memory_space<hbm>>, %arg8: memref<25600xf32, #tpu.memory_space<vmem>>, %arg9: memref<102400xf32, #tpu.memory_space<vmem>>, %arg10: memref<2x512xi32, #tpu.memory_space<vmem>>, %arg11: memref<2x2x!tpu.dma_semaphore, #tpu.memory_space<semaphore_mem>>, %arg12: memref<2x512xi32, #tpu.memory_space<vmem>>) attributes {dimension_semantics = [#tpu.dimension_semantics<core_parallel>, #tpu.dimension_semantics<subcore_parallel>], iteration_bounds = array<i64: 2, 16>, scalar_prefetch = 0 : i64, scratch_operands = 5 : i64, tpu.core_type = #tpu.core_type<sc_vector_subcore>, window_params = [{transform_indices = #map}, {transform_indices = #map1}, {transform_indices = #map1}, {transform_indices = #map1}, {transform_indices = #map2}, {transform_indices = #map}]} {
    %mul3A = arith.constant 16 : i32
    %mul3A_0 = arith.muli %arg0, %mul3A : i32
    %add3A = arith.addi %mul3A_0, %arg1 : i32
    %lt3A = arith.constant 24 : i32
    %lt3A_1 = arith.cmpi slt, %add3A, %lt3A : i32
    %convert_element_type3A = arith.extui %lt3A_1 : i1 to i32
    %cond3A = arith.constant 0 : i32
    %cond3A_2 = arith.cmpi ne, %convert_element_type3A, %cond3A : i32
    scf.if %cond3A_2 {
      %jit3A = arith.constant 8 : i32
      %div3A = arith.divsi %add3A, %jit3A : i32
      %sign3A = arith.constant 0 : i32
      %sign3A_7 = arith.cmpi sgt, %add3A, %sign3A : i32
      %sign3A_8 = arith.extui %sign3A_7 : i1 to i32
      %sign3A_9 = arith.constant 0 : i32
      %sign3A_10 = arith.cmpi slt, %add3A, %sign3A_9 : i32
      %sign3A_11 = arith.extui %sign3A_10 : i1 to i32
      %sign3A_12 = arith.subi %sign3A_8, %sign3A_11 : i32
      %sign3A_13 = arith.constant 0 : i32
      %sign3A_14 = arith.cmpi sgt, %jit3A, %sign3A_13 : i32
      %sign3A_15 = arith.extui %sign3A_14 : i1 to i32
      %sign3A_16 = arith.constant 0 : i32
      %sign3A_17 = arith.cmpi slt, %jit3A, %sign3A_16 : i32
      %sign3A_18 = arith.extui %sign3A_17 : i1 to i32
      %sign3A_19 = arith.subi %sign3A_15, %sign3A_18 : i32
      %ne3A = arith.cmpi ne, %sign3A_12, %sign3A_19 : i32
      %rem3A = arith.remsi %add3A, %jit3A : i32
      %ne3A_20 = arith.constant 0 : i32
      %ne3A_21 = arith.cmpi ne, %rem3A, %ne3A_20 : i32
      %and3A = arith.andi %ne3A, %ne3A_21 : i1
      %sub3A = arith.constant 1 : i32
      %sub3A_22 = arith.subi %div3A, %sub3A : i32
      %select_n3A = arith.select %and3A, %sub3A_22, %div3A : i32
      %jit3A_23 = arith.constant 8 : i32
      %eq3A = arith.constant 0 : i32
      %eq3A_24 = arith.cmpi eq, %jit3A_23, %eq3A : i32
      %jit3A_25 = arith.constant 1 : i32
      %select_n3A_26 = arith.select %eq3A_24, %jit3A_25, %jit3A_23 : i32
      %rem3A_27 = arith.remsi %add3A, %select_n3A_26 : i32
      %ne3A_28 = arith.constant 0 : i32
      %ne3A_29 = arith.cmpi ne, %rem3A_27, %ne3A_28 : i32
      %lt3A_30 = arith.constant 0 : i32
      %lt3A_31 = arith.cmpi slt, %rem3A_27, %lt3A_30 : i32
      %lt3A_32 = arith.constant 0 : i32
      %lt3A_33 = arith.cmpi slt, %select_n3A_26, %lt3A_32 : i32
      %ne3A_34 = arith.xori %lt3A_31, %lt3A_33 : i1
      %and3A_35 = arith.andi %ne3A_34, %ne3A_29 : i1
      %add3A_36 = arith.addi %rem3A_27, %select_n3A_26 : i32
      %select_n3A_37 = arith.select %and3A_35, %add3A_36, %rem3A_27 : i32
      %jit3A_38 = arith.constant 2 : i32
      %div3A_39 = arith.divsi %select_n3A_37, %jit3A_38 : i32
      %sign3A_40 = arith.constant 0 : i32
      %sign3A_41 = arith.cmpi sgt, %select_n3A_37, %sign3A_40 : i32
      %sign3A_42 = arith.extui %sign3A_41 : i1 to i32
      %sign3A_43 = arith.constant 0 : i32
      %sign3A_44 = arith.cmpi slt, %select_n3A_37, %sign3A_43 : i32
      %sign3A_45 = arith.extui %sign3A_44 : i1 to i32
      %sign3A_46 = arith.subi %sign3A_42, %sign3A_45 : i32
      %sign3A_47 = arith.constant 0 : i32
      %sign3A_48 = arith.cmpi sgt, %jit3A_38, %sign3A_47 : i32
      %sign3A_49 = arith.extui %sign3A_48 : i1 to i32
      %sign3A_50 = arith.constant 0 : i32
      %sign3A_51 = arith.cmpi slt, %jit3A_38, %sign3A_50 : i32
      %sign3A_52 = arith.extui %sign3A_51 : i1 to i32
      %sign3A_53 = arith.subi %sign3A_49, %sign3A_52 : i32
      %ne3A_54 = arith.cmpi ne, %sign3A_46, %sign3A_53 : i32
      %rem3A_55 = arith.remsi %select_n3A_37, %jit3A_38 : i32
      %ne3A_56 = arith.constant 0 : i32
      %ne3A_57 = arith.cmpi ne, %rem3A_55, %ne3A_56 : i32
      %and3A_58 = arith.andi %ne3A_54, %ne3A_57 : i1
      %sub3A_59 = arith.constant 1 : i32
      %sub3A_60 = arith.subi %div3A_39, %sub3A_59 : i32
      %select_n3A_61 = arith.select %and3A_58, %sub3A_60, %div3A_39 : i32
      %jit3A_62 = arith.constant 2 : i32
      %eq3A_63 = arith.constant 0 : i32
      %eq3A_64 = arith.cmpi eq, %jit3A_62, %eq3A_63 : i32
      %jit3A_65 = arith.constant 1 : i32
      %select_n3A_66 = arith.select %eq3A_64, %jit3A_65, %jit3A_62 : i32
      %rem3A_67 = arith.remsi %select_n3A_37, %select_n3A_66 : i32
      %ne3A_68 = arith.constant 0 : i32
      %ne3A_69 = arith.cmpi ne, %rem3A_67, %ne3A_68 : i32
      %lt3A_70 = arith.constant 0 : i32
      %lt3A_71 = arith.cmpi slt, %rem3A_67, %lt3A_70 : i32
      %lt3A_72 = arith.constant 0 : i32
      %lt3A_73 = arith.cmpi slt, %select_n3A_66, %lt3A_72 : i32
      %ne3A_74 = arith.xori %lt3A_71, %lt3A_73 : i1
      %and3A_75 = arith.andi %ne3A_74, %ne3A_69 : i1
      %add3A_76 = arith.addi %rem3A_67, %select_n3A_66 : i32
      %select_n3A_77 = arith.select %and3A_75, %add3A_76, %rem3A_67 : i32
      %mul3A_78 = arith.constant 25600 : i32
      %mul3A_79 = arith.muli %select_n3A_61, %mul3A_78 : i32
      "tpu.region"() ({
        %run_scoped3A = tpu.sem_alloc : memref<!tpu.dma_semaphore, #tpu.memory_space<semaphore_mem>>
        %dma_start3A_112 = arith.constant 0 : i32
        %dma_start3A_113 = tpu.memref_slice %arg2[%select_n3A, %dma_start3A_112] : memref<3x102400xf32, #tpu.memory_space<hbm>> -> memref<1x102400xf32, #tpu.memory_space<hbm>>
        %dma_start3A_114 = tpu.memref_squeeze %dma_start3A_113 : memref<1x102400xf32, #tpu.memory_space<hbm>> -> memref<102400xf32, #tpu.memory_space<hbm>>
        %dma_start3A_115 = arith.constant 0 : i32
        %dma_start3A_116 = tpu.memref_slice %arg2[%select_n3A, %dma_start3A_115] : memref<3x102400xf32, #tpu.memory_space<hbm>> -> memref<1x102400xf32, #tpu.memory_space<hbm>>
        %dma_start3A_117 = tpu.memref_squeeze %dma_start3A_116 : memref<1x102400xf32, #tpu.memory_space<hbm>> -> memref<102400xf32, #tpu.memory_space<hbm>>
        tpu.enqueue_dma source(%dma_start3A_117 : memref<102400xf32, #tpu.memory_space<hbm>>) target(%arg9 : memref<102400xf32, #tpu.memory_space<vmem>>) target_semaphore(%run_scoped3A : memref<!tpu.dma_semaphore, #tpu.memory_space<semaphore_mem>>)
        %dma_wait3A = arith.constant 0 : i32
        %dma_wait3A_118 = tpu.memref_slice %arg2[%select_n3A, %dma_wait3A] : memref<3x102400xf32, #tpu.memory_space<hbm>> -> memref<1x102400xf32, #tpu.memory_space<hbm>>
        %dma_wait3A_119 = tpu.memref_squeeze %dma_wait3A_118 : memref<1x102400xf32, #tpu.memory_space<hbm>> -> memref<102400xf32, #tpu.memory_space<hbm>>
        %dma_wait3A_120 = arith.constant 0 : i32
        %dma_wait3A_121 = tpu.memref_slice %arg2[%select_n3A, %dma_wait3A_120] : memref<3x102400xf32, #tpu.memory_space<hbm>> -> memref<1x102400xf32, #tpu.memory_space<hbm>>
        %dma_wait3A_122 = tpu.memref_squeeze %dma_wait3A_121 : memref<1x102400xf32, #tpu.memory_space<hbm>> -> memref<102400xf32, #tpu.memory_space<hbm>>
        tpu.wait_dma2 semaphore(%run_scoped3A : memref<!tpu.dma_semaphore, #tpu.memory_space<semaphore_mem>>) src(%dma_wait3A_122 : memref<102400xf32, #tpu.memory_space<hbm>>) dst(%arg9 : memref<102400xf32, #tpu.memory_space<vmem>>)
        tpu.yield
      }) : () -> ()
      "tpu.region"() ({
        %run_scoped3A = tpu.sem_alloc : memref<!tpu.dma_semaphore, #tpu.memory_space<semaphore_mem>>
        %dma_start3A_112 = arith.constant 0 : i32
        %dma_start3A_113 = tpu.memref_slice %arg5[%dma_start3A_112] : memref<102400xf32, #tpu.memory_space<hbm>> -> memref<25600xf32, #tpu.memory_space<hbm>>
        %dma_start3A_114 = arith.constant 0 : i32
        %dma_start3A_115 = tpu.memref_slice %arg5[%dma_start3A_114] : memref<102400xf32, #tpu.memory_space<hbm>> -> memref<25600xf32, #tpu.memory_space<hbm>>
        tpu.enqueue_dma source(%dma_start3A_115 : memref<25600xf32, #tpu.memory_space<hbm>>) target(%arg8 : memref<25600xf32, #tpu.memory_space<vmem>>) target_semaphore(%run_scoped3A : memref<!tpu.dma_semaphore, #tpu.memory_space<semaphore_mem>>)
        %dma_wait3A = arith.constant 0 : i32
        %dma_wait3A_116 = tpu.memref_slice %arg5[%dma_wait3A] : memref<102400xf32, #tpu.memory_space<hbm>> -> memref<25600xf32, #tpu.memory_space<hbm>>
        %dma_wait3A_117 = arith.constant 0 : i32
        %dma_wait3A_118 = tpu.memref_slice %arg5[%dma_wait3A_117] : memref<102400xf32, #tpu.memory_space<hbm>> -> memref<25600xf32, #tpu.memory_space<hbm>>
        tpu.wait_dma2 semaphore(%run_scoped3A : memref<!tpu.dma_semaphore, #tpu.memory_space<semaphore_mem>>) src(%dma_wait3A_118 : memref<25600xf32, #tpu.memory_space<hbm>>) dst(%arg8 : memref<25600xf32, #tpu.memory_space<vmem>>)
        tpu.yield
      }) : () -> ()
      %mul3A_80 = arith.constant 1601536 : i32
      %mul3A_81 = arith.muli %select_n3A_77, %mul3A_80 : i32
      %dma_start3A = arith.constant 0 : i32
      %dma_start3A_82 = arith.constant 0 : i32
      %dma_start3A_83 = arith.constant 0 : i32
      %dma_start3A_84 = arith.constant 0 : i32
      %dma_start3A_85 = tpu.memref_slice %arg12[%dma_start3A, %dma_start3A_84] : memref<2x512xi32, #tpu.memory_space<vmem>> -> memref<1x512xi32, #tpu.memory_space<vmem>>
      %dma_start3A_86 = tpu.memref_squeeze %dma_start3A_85 : memref<1x512xi32, #tpu.memory_space<vmem>> -> memref<512xi32, #tpu.memory_space<vmem>>
      %dma_start3A_87 = tpu.memref_slice %arg3[%mul3A_81] : memref<3203072xi32, #tpu.memory_space<hbm>> -> memref<512xi32, #tpu.memory_space<hbm>>
      %dma_start3A_88 = tpu.memref_slice %arg11[%dma_start3A_82, %dma_start3A_83] : memref<2x2x!tpu.dma_semaphore, #tpu.memory_space<semaphore_mem>> -> memref<1x1x!tpu.dma_semaphore, #tpu.memory_space<semaphore_mem>>
      %dma_start3A_89 = tpu.memref_squeeze %dma_start3A_88 : memref<1x1x!tpu.dma_semaphore, #tpu.memory_space<semaphore_mem>> -> memref<!tpu.dma_semaphore, #tpu.memory_space<semaphore_mem>>
      %dma_start3A_90 = arith.constant 0 : i32
      %dma_start3A_91 = tpu.memref_slice %arg12[%dma_start3A, %dma_start3A_90] : memref<2x512xi32, #tpu.memory_space<vmem>> -> memref<1x512xi32, #tpu.memory_space<vmem>>
      %dma_start3A_92 = tpu.memref_squeeze %dma_start3A_91 : memref<1x512xi32, #tpu.memory_space<vmem>> -> memref<512xi32, #tpu.memory_space<vmem>>
      %dma_start3A_93 = tpu.memref_slice %arg3[%mul3A_81] : memref<3203072xi32, #tpu.memory_space<hbm>> -> memref<512xi32, #tpu.memory_space<hbm>>
      tpu.enqueue_dma source(%dma_start3A_93 : memref<512xi32, #tpu.memory_space<hbm>>) target(%dma_start3A_92 : memref<512xi32, #tpu.memory_space<vmem>>) target_semaphore(%dma_start3A_89 : memref<!tpu.dma_semaphore, #tpu.memory_space<semaphore_mem>>)
      %dma_start3A_94 = arith.constant 0 : i32
      %dma_start3A_95 = arith.constant 0 : i32
      %dma_start3A_96 = arith.constant 1 : i32
      %dma_start3A_97 = arith.constant 0 : i32
      %dma_start3A_98 = tpu.memref_slice %arg10[%dma_start3A_94, %dma_start3A_97] : memref<2x512xi32, #tpu.memory_space<vmem>> -> memref<1x512xi32, #tpu.memory_space<vmem>>
      %dma_start3A_99 = tpu.memref_squeeze %dma_start3A_98 : memref<1x512xi32, #tpu.memory_space<vmem>> -> memref<512xi32, #tpu.memory_space<vmem>>
      %dma_start3A_100 = tpu.memref_slice %arg4[%mul3A_81] : memref<3203072xi32, #tpu.memory_space<hbm>> -> memref<512xi32, #tpu.memory_space<hbm>>
      %dma_start3A_101 = tpu.memref_slice %arg11[%dma_start3A_95, %dma_start3A_96] : memref<2x2x!tpu.dma_semaphore, #tpu.memory_space<semaphore_mem>> -> memref<1x1x!tpu.dma_semaphore, #tpu.memory_space<semaphore_mem>>
      %dma_start3A_102 = tpu.memref_squeeze %dma_start3A_101 : memref<1x1x!tpu.dma_semaphore, #tpu.memory_space<semaphore_mem>> -> memref<!tpu.dma_semaphore, #tpu.memory_space<semaphore_mem>>
      %dma_start3A_103 = arith.constant 0 : i32
      %dma_start3A_104 = tpu.memref_slice %arg10[%dma_start3A_94, %dma_start3A_103] : memref<2x512xi32, #tpu.memory_space<vmem>> -> memref<1x512xi32, #tpu.memory_space<vmem>>
      %dma_start3A_105 = tpu.memref_squeeze %dma_start3A_104 : memref<1x512xi32, #tpu.memory_space<vmem>> -> memref<512xi32, #tpu.memory_space<vmem>>
      %dma_start3A_106 = tpu.memref_slice %arg4[%mul3A_81] : memref<3203072xi32, #tpu.memory_space<hbm>> -> memref<512xi32, #tpu.memory_space<hbm>>
      tpu.enqueue_dma source(%dma_start3A_106 : memref<512xi32, #tpu.memory_space<hbm>>) target(%dma_start3A_105 : memref<512xi32, #tpu.memory_space<vmem>>) target_semaphore(%dma_start3A_102 : memref<!tpu.dma_semaphore, #tpu.memory_space<semaphore_mem>>)
      %scan3A = arith.constant 0 : i32
      %scan3A_107 = arith.constant 0 : i32
      %scan3A_108 = arith.constant 1564 : i32
      %scan3A_109 = arith.addi %scan3A_107, %scan3A_108 : i32
      %scan3A_110 = arith.constant 1 : i32
      scf.for %scan3A_112 = %scan3A_107 to %scan3A_109 step %scan3A_110  : i32 {
        %mul3A_113 = arith.constant 2 : i32
        %mul3A_114 = arith.muli %mul3A_113, %scan3A_112 : i32
        %add3A_115 = arith.constant 1 : i32
        %add3A_116 = arith.addi %mul3A_114, %add3A_115 : i32
        %mul3A_117 = arith.constant 512 : i32
        %mul3A_118 = arith.muli %add3A_116, %mul3A_117 : i32
        %add3A_119 = arith.addi %mul3A_81, %mul3A_118 : i32
        %dma_start3A_120 = arith.constant 1 : i32
        %dma_start3A_121 = arith.constant 1 : i32
        %dma_start3A_122 = arith.constant 0 : i32
        %dma_start3A_123 = arith.constant 0 : i32
        %dma_start3A_124 = tpu.memref_slice %arg12[%dma_start3A_120, %dma_start3A_123] : memref<2x512xi32, #tpu.memory_space<vmem>> -> memref<1x512xi32, #tpu.memory_space<vmem>>
        %dma_start3A_125 = tpu.memref_squeeze %dma_start3A_124 : memref<1x512xi32, #tpu.memory_space<vmem>> -> memref<512xi32, #tpu.memory_space<vmem>>
        %dma_start3A_126 = tpu.memref_slice %arg3[%add3A_119] : memref<3203072xi32, #tpu.memory_space<hbm>> -> memref<512xi32, #tpu.memory_space<hbm>>
        %dma_start3A_127 = tpu.memref_slice %arg11[%dma_start3A_121, %dma_start3A_122] : memref<2x2x!tpu.dma_semaphore, #tpu.memory_space<semaphore_mem>> -> memref<1x1x!tpu.dma_semaphore, #tpu.memory_space<semaphore_mem>>
        %dma_start3A_128 = tpu.memref_squeeze %dma_start3A_127 : memref<1x1x!tpu.dma_semaphore, #tpu.memory_space<semaphore_mem>> -> memref<!tpu.dma_semaphore, #tpu.memory_space<semaphore_mem>>
        %dma_start3A_129 = arith.constant 0 : i32
        %dma_start3A_130 = tpu.memref_slice %arg12[%dma_start3A_120, %dma_start3A_129] : memref<2x512xi32, #tpu.memory_space<vmem>> -> memref<1x512xi32, #tpu.memory_space<vmem>>
        %dma_start3A_131 = tpu.memref_squeeze %dma_start3A_130 : memref<1x512xi32, #tpu.memory_space<vmem>> -> memref<512xi32, #tpu.memory_space<vmem>>
        %dma_start3A_132 = tpu.memref_slice %arg3[%add3A_119] : memref<3203072xi32, #tpu.memory_space<hbm>> -> memref<512xi32, #tpu.memory_space<hbm>>
        tpu.enqueue_dma source(%dma_start3A_132 : memref<512xi32, #tpu.memory_space<hbm>>) target(%dma_start3A_131 : memref<512xi32, #tpu.memory_space<vmem>>) target_semaphore(%dma_start3A_128 : memref<!tpu.dma_semaphore, #tpu.memory_space<semaphore_mem>>)
        %dma_start3A_133 = arith.constant 1 : i32
        %dma_start3A_134 = arith.constant 1 : i32
        %dma_start3A_135 = arith.constant 1 : i32
        %dma_start3A_136 = arith.constant 0 : i32
        %dma_start3A_137 = tpu.memref_slice %arg10[%dma_start3A_133, %dma_start3A_136] : memref<2x512xi32, #tpu.memory_space<vmem>> -> memref<1x512xi32, #tpu.memory_space<vmem>>
        %dma_start3A_138 = tpu.memref_squeeze %dma_start3A_137 : memref<1x512xi32, #tpu.memory_space<vmem>> -> memref<512xi32, #tpu.memory_space<vmem>>
        %dma_start3A_139 = tpu.memref_slice %arg4[%add3A_119] : memref<3203072xi32, #tpu.memory_space<hbm>> -> memref<512xi32, #tpu.memory_space<hbm>>
        %dma_start3A_140 = tpu.memref_slice %arg11[%dma_start3A_134, %dma_start3A_135] : memref<2x2x!tpu.dma_semaphore, #tpu.memory_space<semaphore_mem>> -> memref<1x1x!tpu.dma_semaphore, #tpu.memory_space<semaphore_mem>>
        %dma_start3A_141 = tpu.memref_squeeze %dma_start3A_140 : memref<1x1x!tpu.dma_semaphore, #tpu.memory_space<semaphore_mem>> -> memref<!tpu.dma_semaphore, #tpu.memory_space<semaphore_mem>>
        %dma_start3A_142 = arith.constant 0 : i32
        %dma_start3A_143 = tpu.memref_slice %arg10[%dma_start3A_133, %dma_start3A_142] : memref<2x512xi32, #tpu.memory_space<vmem>> -> memref<1x512xi32, #tpu.memory_space<vmem>>
        %dma_start3A_144 = tpu.memref_squeeze %dma_start3A_143 : memref<1x512xi32, #tpu.memory_space<vmem>> -> memref<512xi32, #tpu.memory_space<vmem>>
        %dma_start3A_145 = tpu.memref_slice %arg4[%add3A_119] : memref<3203072xi32, #tpu.memory_space<hbm>> -> memref<512xi32, #tpu.memory_space<hbm>>
        tpu.enqueue_dma source(%dma_start3A_145 : memref<512xi32, #tpu.memory_space<hbm>>) target(%dma_start3A_144 : memref<512xi32, #tpu.memory_space<vmem>>) target_semaphore(%dma_start3A_141 : memref<!tpu.dma_semaphore, #tpu.memory_space<semaphore_mem>>)
        %dma_wait3A = arith.constant 0 : i32
        %dma_wait3A_146 = arith.constant 0 : i32
        %dma_wait3A_147 = arith.constant 0 : i32
        %dma_wait3A_148 = arith.constant 0 : i32
        %dma_wait3A_149 = tpu.memref_slice %arg12[%dma_wait3A, %dma_wait3A_148] : memref<2x512xi32, #tpu.memory_space<vmem>> -> memref<1x512xi32, #tpu.memory_space<vmem>>
        %dma_wait3A_150 = tpu.memref_squeeze %dma_wait3A_149 : memref<1x512xi32, #tpu.memory_space<vmem>> -> memref<512xi32, #tpu.memory_space<vmem>>
        %dma_wait3A_151 = arith.constant 0 : i32
        %dma_wait3A_152 = tpu.memref_slice %arg3[%dma_wait3A_151] : memref<3203072xi32, #tpu.memory_space<hbm>> -> memref<512xi32, #tpu.memory_space<hbm>>
        %dma_wait3A_153 = tpu.memref_slice %arg11[%dma_wait3A_146, %dma_wait3A_147] : memref<2x2x!tpu.dma_semaphore, #tpu.memory_space<semaphore_mem>> -> memref<1x1x!tpu.dma_semaphore, #tpu.memory_space<semaphore_mem>>
        %dma_wait3A_154 = tpu.memref_squeeze %dma_wait3A_153 : memref<1x1x!tpu.dma_semaphore, #tpu.memory_space<semaphore_mem>> -> memref<!tpu.dma_semaphore, #tpu.memory_space<semaphore_mem>>
        %dma_wait3A_155 = arith.constant 0 : i32
        %dma_wait3A_156 = tpu.memref_slice %arg12[%dma_wait3A, %dma_wait3A_155] : memref<2x512xi32, #tpu.memory_space<vmem>> -> memref<1x512xi32, #tpu.memory_space<vmem>>
        %dma_wait3A_157 = tpu.memref_squeeze %dma_wait3A_156 : memref<1x512xi32, #tpu.memory_space<vmem>> -> memref<512xi32, #tpu.memory_space<vmem>>
        %dma_wait3A_158 = arith.constant 0 : i32
        %dma_wait3A_159 = tpu.memref_slice %arg3[%dma_wait3A_158] : memref<3203072xi32, #tpu.memory_space<hbm>> -> memref<512xi32, #tpu.memory_space<hbm>>
        tpu.wait_dma2 semaphore(%dma_wait3A_154 : memref<!tpu.dma_semaphore, #tpu.memory_space<semaphore_mem>>) src(%dma_wait3A_159 : memref<512xi32, #tpu.memory_space<hbm>>) dst(%dma_wait3A_157 : memref<512xi32, #tpu.memory_space<vmem>>)
        %dma_wait3A_160 = arith.constant 0 : i32
        %dma_wait3A_161 = arith.constant 0 : i32
        %dma_wait3A_162 = arith.constant 1 : i32
        %dma_wait3A_163 = arith.constant 0 : i32
        %dma_wait3A_164 = tpu.memref_slice %arg10[%dma_wait3A_160, %dma_wait3A_163] : memref<2x512xi32, #tpu.memory_space<vmem>> -> memref<1x512xi32, #tpu.memory_space<vmem>>
        %dma_wait3A_165 = tpu.memref_squeeze %dma_wait3A_164 : memref<1x512xi32, #tpu.memory_space<vmem>> -> memref<512xi32, #tpu.memory_space<vmem>>
        %dma_wait3A_166 = arith.constant 0 : i32
        %dma_wait3A_167 = tpu.memref_slice %arg4[%dma_wait3A_166] : memref<3203072xi32, #tpu.memory_space<hbm>> -> memref<512xi32, #tpu.memory_space<hbm>>
        %dma_wait3A_168 = tpu.memref_slice %arg11[%dma_wait3A_161, %dma_wait3A_162] : memref<2x2x!tpu.dma_semaphore, #tpu.memory_space<semaphore_mem>> -> memref<1x1x!tpu.dma_semaphore, #tpu.memory_space<semaphore_mem>>
        %dma_wait3A_169 = tpu.memref_squeeze %dma_wait3A_168 : memref<1x1x!tpu.dma_semaphore, #tpu.memory_space<semaphore_mem>> -> memref<!tpu.dma_semaphore, #tpu.memory_space<semaphore_mem>>
        %dma_wait3A_170 = arith.constant 0 : i32
        %dma_wait3A_171 = tpu.memref_slice %arg10[%dma_wait3A_160, %dma_wait3A_170] : memref<2x512xi32, #tpu.memory_space<vmem>> -> memref<1x512xi32, #tpu.memory_space<vmem>>
        %dma_wait3A_172 = tpu.memref_squeeze %dma_wait3A_171 : memref<1x512xi32, #tpu.memory_space<vmem>> -> memref<512xi32, #tpu.memory_space<vmem>>
        %dma_wait3A_173 = arith.constant 0 : i32
        %dma_wait3A_174 = tpu.memref_slice %arg4[%dma_wait3A_173] : memref<3203072xi32, #tpu.memory_space<hbm>> -> memref<512xi32, #tpu.memory_space<hbm>>
        tpu.wait_dma2 semaphore(%dma_wait3A_169 : memref<!tpu.dma_semaphore, #tpu.memory_space<semaphore_mem>>) src(%dma_wait3A_174 : memref<512xi32, #tpu.memory_space<hbm>>) dst(%dma_wait3A_172 : memref<512xi32, #tpu.memory_space<vmem>>)
        %scan3A_175 = arith.constant 0 : i32
        %scan3A_176 = arith.constant 0 : i32
        %scan3A_177 = arith.constant 4 : i32
        %scan3A_178 = arith.addi %scan3A_176, %scan3A_177 : i32
        %scan3A_179 = arith.constant 1 : i32
        scf.for %scan3A_224 = %scan3A_176 to %scan3A_178 step %scan3A_179  : i32 {
          %mul3A_225 = arith.constant 8 : i32
          %mul3A_226 = arith.muli %scan3A_224, %mul3A_225 : i32
          %add3A_227 = arith.constant 0 : i32
          %add3A_228 = arith.addi %mul3A_226, %add3A_227 : i32
          %mul3A_229 = arith.constant 16 : i32
          %mul3A_230 = arith.muli %add3A_228, %mul3A_229 : i32
          %get3A = arith.constant 0 : i32
          %get3A_231 = arith.index_cast %get3A : i32 to index
          %get3A_232 = arith.index_cast %mul3A_230 : i32 to index
          %get3A_233 = tpu.vector_load %arg12[%get3A_231, %get3A_232] {strides = array<i32>} : memref<2x512xi32, #tpu.memory_space<vmem>>, vector<16xi32>,
          %get3A_234 = arith.constant 0 : i32
          %get3A_235 = arith.index_cast %get3A_234 : i32 to index
          %get3A_236 = arith.index_cast %mul3A_230 : i32 to index
          %get3A_237 = tpu.vector_load %arg10[%get3A_235, %get3A_236] {strides = array<i32>} : memref<2x512xi32, #tpu.memory_space<vmem>>, vector<16xi32>,
          %gather3A = tpu.vector_load_idx %arg9[%get3A_233] : memref<102400xf32, #tpu.memory_space<vmem>>[vector<16xi32>], vector<16xf32>,
          %gather3A_238 = tpu.vector_load_idx %arg9[%get3A_237] : memref<102400xf32, #tpu.memory_space<vmem>>[vector<16xi32>], vector<16xf32>,
          %sub3A_239 = vector.broadcast %mul3A_79 : i32 to vector<16xi32>
          %sub3A_240 = arith.subi %get3A_233, %sub3A_239 : vector<16xi32>
          %lt3A_241 = arith.constant 25600 : i32
          %lt3A_242 = vector.broadcast %lt3A_241 : i32 to vector<16xi32>
          %lt3A_243 = arith.cmpi ult, %sub3A_240, %lt3A_242 : vector<16xi32>
          %jit3A_244 = arith.constant 0 : i32
          %broadcast_in_dim3A = vector.broadcast %jit3A_244 : i32 to vector<16xi32>
          %select_n3A_245 = arith.select %lt3A_243, %sub3A_240, %broadcast_in_dim3A : vector<16xi1>, vector<16xi32>
          tpu.vector_store_idx %arg8[%select_n3A_245], %gather3A_238 masked %lt3A_243 {add = true} : memref<25600xf32, #tpu.memory_space<vmem>>[vector<16xi32>], vector<16xf32>, vector<16xi1>
          %sub3A_246 = vector.broadcast %mul3A_79 : i32 to vector<16xi32>
          %sub3A_247 = arith.subi %get3A_237, %sub3A_246 : vector<16xi32>
          %lt3A_248 = arith.constant 25600 : i32
          %lt3A_249 = vector.broadcast %lt3A_248 : i32 to vector<16xi32>
          %lt3A_250 = arith.cmpi ult, %sub3A_247, %lt3A_249 : vector<16xi32>
          %jit3A_251 = arith.constant 0 : i32
          %broadcast_in_dim3A_252 = vector.broadcast %jit3A_251 : i32 to vector<16xi32>
          %select_n3A_253 = arith.select %lt3A_250, %sub3A_247, %broadcast_in_dim3A_252 : vector<16xi1>, vector<16xi32>
          tpu.vector_store_idx %arg8[%select_n3A_253], %gather3A masked %lt3A_250 {add = true} : memref<25600xf32, #tpu.memory_space<vmem>>[vector<16xi32>], vector<16xf32>, vector<16xi1>
          %mul3A_254 = arith.constant 8 : i32
          %mul3A_255 = arith.muli %scan3A_224, %mul3A_254 : i32
          %add3A_256 = arith.constant 1 : i32
          %add3A_257 = arith.addi %mul3A_255, %add3A_256 : i32
          %mul3A_258 = arith.constant 16 : i32
          %mul3A_259 = arith.muli %add3A_257, %mul3A_258 : i32
          %get3A_260 = arith.constant 0 : i32
          %get3A_261 = arith.index_cast %get3A_260 : i32 to index
          %get3A_262 = arith.index_cast %mul3A_259 : i32 to index
          %get3A_263 = tpu.vector_load %arg12[%get3A_261, %get3A_262] {strides = array<i32>} : memref<2x512xi32, #tpu.memory_space<vmem>>, vector<16xi32>,
          %get3A_264 = arith.constant 0 : i32
          %get3A_265 = arith.index_cast %get3A_264 : i32 to index
          %get3A_266 = arith.index_cast %mul3A_259 : i32 to index
          %get3A_267 = tpu.vector_load %arg10[%get3A_265, %get3A_266] {strides = array<i32>} : memref<2x512xi32, #tpu.memory_space<vmem>>, vector<16xi32>,
          %gather3A_268 = tpu.vector_load_idx %arg9[%get3A_263] : memref<102400xf32, #tpu.memory_space<vmem>>[vector<16xi32>], vector<16xf32>,
          %gather3A_269 = tpu.vector_load_idx %arg9[%get3A_267] : memref<102400xf32, #tpu.memory_space<vmem>>[vector<16xi32>], vector<16xf32>,
          %sub3A_270 = vector.broadcast %mul3A_79 : i32 to vector<16xi32>
          %sub3A_271 = arith.subi %get3A_263, %sub3A_270 : vector<16xi32>
          %lt3A_272 = arith.constant 25600 : i32
          %lt3A_273 = vector.broadcast %lt3A_272 : i32 to vector<16xi32>
          %lt3A_274 = arith.cmpi ult, %sub3A_271, %lt3A_273 : vector<16xi32>
          %jit3A_275 = arith.constant 0 : i32
          %broadcast_in_dim3A_276 = vector.broadcast %jit3A_275 : i32 to vector<16xi32>
          %select_n3A_277 = arith.select %lt3A_274, %sub3A_271, %broadcast_in_dim3A_276 : vector<16xi1>, vector<16xi32>
          tpu.vector_store_idx %arg8[%select_n3A_277], %gather3A_269 masked %lt3A_274 {add = true} : memref<25600xf32, #tpu.memory_space<vmem>>[vector<16xi32>], vector<16xf32>, vector<16xi1>
          %sub3A_278 = vector.broadcast %mul3A_79 : i32 to vector<16xi32>
          %sub3A_279 = arith.subi %get3A_267, %sub3A_278 : vector<16xi32>
          %lt3A_280 = arith.constant 25600 : i32
          %lt3A_281 = vector.broadcast %lt3A_280 : i32 to vector<16xi32>
          %lt3A_282 = arith.cmpi ult, %sub3A_279, %lt3A_281 : vector<16xi32>
          %jit3A_283 = arith.constant 0 : i32
          %broadcast_in_dim3A_284 = vector.broadcast %jit3A_283 : i32 to vector<16xi32>
          %select_n3A_285 = arith.select %lt3A_282, %sub3A_279, %broadcast_in_dim3A_284 : vector<16xi1>, vector<16xi32>
          tpu.vector_store_idx %arg8[%select_n3A_285], %gather3A_268 masked %lt3A_282 {add = true} : memref<25600xf32, #tpu.memory_space<vmem>>[vector<16xi32>], vector<16xf32>, vector<16xi1>
          %mul3A_286 = arith.constant 8 : i32
          %mul3A_287 = arith.muli %scan3A_224, %mul3A_286 : i32
          %add3A_288 = arith.constant 2 : i32
          %add3A_289 = arith.addi %mul3A_287, %add3A_288 : i32
          %mul3A_290 = arith.constant 16 : i32
          %mul3A_291 = arith.muli %add3A_289, %mul3A_290 : i32
          %get3A_292 = arith.constant 0 : i32
          %get3A_293 = arith.index_cast %get3A_292 : i32 to index
          %get3A_294 = arith.index_cast %mul3A_291 : i32 to index
          %get3A_295 = tpu.vector_load %arg12[%get3A_293, %get3A_294] {strides = array<i32>} : memref<2x512xi32, #tpu.memory_space<vmem>>, vector<16xi32>,
          %get3A_296 = arith.constant 0 : i32
          %get3A_297 = arith.index_cast %get3A_296 : i32 to index
          %get3A_298 = arith.index_cast %mul3A_291 : i32 to index
          %get3A_299 = tpu.vector_load %arg10[%get3A_297, %get3A_298] {strides = array<i32>} : memref<2x512xi32, #tpu.memory_space<vmem>>, vector<16xi32>,
          %gather3A_300 = tpu.vector_load_idx %arg9[%get3A_295] : memref<102400xf32, #tpu.memory_space<vmem>>[vector<16xi32>], vector<16xf32>,
          %gather3A_301 = tpu.vector_load_idx %arg9[%get3A_299] : memref<102400xf32, #tpu.memory_space<vmem>>[vector<16xi32>], vector<16xf32>,
          %sub3A_302 = vector.broadcast %mul3A_79 : i32 to vector<16xi32>
          %sub3A_303 = arith.subi %get3A_295, %sub3A_302 : vector<16xi32>
          %lt3A_304 = arith.constant 25600 : i32
          %lt3A_305 = vector.broadcast %lt3A_304 : i32 to vector<16xi32>
          %lt3A_306 = arith.cmpi ult, %sub3A_303, %lt3A_305 : vector<16xi32>
          %jit3A_307 = arith.constant 0 : i32
          %broadcast_in_dim3A_308 = vector.broadcast %jit3A_307 : i32 to vector<16xi32>
          %select_n3A_309 = arith.select %lt3A_306, %sub3A_303, %broadcast_in_dim3A_308 : vector<16xi1>, vector<16xi32>
          tpu.vector_store_idx %arg8[%select_n3A_309], %gather3A_301 masked %lt3A_306 {add = true} : memref<25600xf32, #tpu.memory_space<vmem>>[vector<16xi32>], vector<16xf32>, vector<16xi1>
          %sub3A_310 = vector.broadcast %mul3A_79 : i32 to vector<16xi32>
          %sub3A_311 = arith.subi %get3A_299, %sub3A_310 : vector<16xi32>
          %lt3A_312 = arith.constant 25600 : i32
          %lt3A_313 = vector.broadcast %lt3A_312 : i32 to vector<16xi32>
          %lt3A_314 = arith.cmpi ult, %sub3A_311, %lt3A_313 : vector<16xi32>
          %jit3A_315 = arith.constant 0 : i32
          %broadcast_in_dim3A_316 = vector.broadcast %jit3A_315 : i32 to vector<16xi32>
          %select_n3A_317 = arith.select %lt3A_314, %sub3A_311, %broadcast_in_dim3A_316 : vector<16xi1>, vector<16xi32>
          tpu.vector_store_idx %arg8[%select_n3A_317], %gather3A_300 masked %lt3A_314 {add = true} : memref<25600xf32, #tpu.memory_space<vmem>>[vector<16xi32>], vector<16xf32>, vector<16xi1>
          %mul3A_318 = arith.constant 8 : i32
          %mul3A_319 = arith.muli %scan3A_224, %mul3A_318 : i32
          %add3A_320 = arith.constant 3 : i32
          %add3A_321 = arith.addi %mul3A_319, %add3A_320 : i32
          %mul3A_322 = arith.constant 16 : i32
          %mul3A_323 = arith.muli %add3A_321, %mul3A_322 : i32
          %get3A_324 = arith.constant 0 : i32
          %get3A_325 = arith.index_cast %get3A_324 : i32 to index
          %get3A_326 = arith.index_cast %mul3A_323 : i32 to index
          %get3A_327 = tpu.vector_load %arg12[%get3A_325, %get3A_326] {strides = array<i32>} : memref<2x512xi32, #tpu.memory_space<vmem>>, vector<16xi32>,
          %get3A_328 = arith.constant 0 : i32
          %get3A_329 = arith.index_cast %get3A_328 : i32 to index
          %get3A_330 = arith.index_cast %mul3A_323 : i32 to index
          %get3A_331 = tpu.vector_load %arg10[%get3A_329, %get3A_330] {strides = array<i32>} : memref<2x512xi32, #tpu.memory_space<vmem>>, vector<16xi32>,
          %gather3A_332 = tpu.vector_load_idx %arg9[%get3A_327] : memref<102400xf32, #tpu.memory_space<vmem>>[vector<16xi32>], vector<16xf32>,
          %gather3A_333 = tpu.vector_load_idx %arg9[%get3A_331] : memref<102400xf32, #tpu.memory_space<vmem>>[vector<16xi32>], vector<16xf32>,
          %sub3A_334 = vector.broadcast %mul3A_79 : i32 to vector<16xi32>
          %sub3A_335 = arith.subi %get3A_327, %sub3A_334 : vector<16xi32>
          %lt3A_336 = arith.constant 25600 : i32
          %lt3A_337 = vector.broadcast %lt3A_336 : i32 to vector<16xi32>
          %lt3A_338 = arith.cmpi ult, %sub3A_335, %lt3A_337 : vector<16xi32>
          %jit3A_339 = arith.constant 0 : i32
          %broadcast_in_dim3A_340 = vector.broadcast %jit3A_339 : i32 to vector<16xi32>
          %select_n3A_341 = arith.select %lt3A_338, %sub3A_335, %broadcast_in_dim3A_340 : vector<16xi1>, vector<16xi32>
          tpu.vector_store_idx %arg8[%select_n3A_341], %gather3A_333 masked %lt3A_338 {add = true} : memref<25600xf32, #tpu.memory_space<vmem>>[vector<16xi32>], vector<16xf32>, vector<16xi1>
          %sub3A_342 = vector.broadcast %mul3A_79 : i32 to vector<16xi32>
          %sub3A_343 = arith.subi %get3A_331, %sub3A_342 : vector<16xi32>
          %lt3A_344 = arith.constant 25600 : i32
          %lt3A_345 = vector.broadcast %lt3A_344 : i32 to vector<16xi32>
          %lt3A_346 = arith.cmpi ult, %sub3A_343, %lt3A_345 : vector<16xi32>
          %jit3A_347 = arith.constant 0 : i32
          %broadcast_in_dim3A_348 = vector.broadcast %jit3A_347 : i32 to vector<16xi32>
          %select_n3A_349 = arith.select %lt3A_346, %sub3A_343, %broadcast_in_dim3A_348 : vector<16xi1>, vector<16xi32>
          tpu.vector_store_idx %arg8[%select_n3A_349], %gather3A_332 masked %lt3A_346 {add = true} : memref<25600xf32, #tpu.memory_space<vmem>>[vector<16xi32>], vector<16xf32>, vector<16xi1>
          %mul3A_350 = arith.constant 8 : i32
          %mul3A_351 = arith.muli %scan3A_224, %mul3A_350 : i32
          %add3A_352 = arith.constant 4 : i32
          %add3A_353 = arith.addi %mul3A_351, %add3A_352 : i32
          %mul3A_354 = arith.constant 16 : i32
          %mul3A_355 = arith.muli %add3A_353, %mul3A_354 : i32
          %get3A_356 = arith.constant 0 : i32
          %get3A_357 = arith.index_cast %get3A_356 : i32 to index
          %get3A_358 = arith.index_cast %mul3A_355 : i32 to index
          %get3A_359 = tpu.vector_load %arg12[%get3A_357, %get3A_358] {strides = array<i32>} : memref<2x512xi32, #tpu.memory_space<vmem>>, vector<16xi32>,
          %get3A_360 = arith.constant 0 : i32
          %get3A_361 = arith.index_cast %get3A_360 : i32 to index
          %get3A_362 = arith.index_cast %mul3A_355 : i32 to index
          %get3A_363 = tpu.vector_load %arg10[%get3A_361, %get3A_362] {strides = array<i32>} : memref<2x512xi32, #tpu.memory_space<vmem>>, vector<16xi32>,
          %gather3A_364 = tpu.vector_load_idx %arg9[%get3A_359] : memref<102400xf32, #tpu.memory_space<vmem>>[vector<16xi32>], vector<16xf32>,
          %gather3A_365 = tpu.vector_load_idx %arg9[%get3A_363] : memref<102400xf32, #tpu.memory_space<vmem>>[vector<16xi32>], vector<16xf32>,
          %sub3A_366 = vector.broadcast %mul3A_79 : i32 to vector<16xi32>
          %sub3A_367 = arith.subi %get3A_359, %sub3A_366 : vector<16xi32>
          %lt3A_368 = arith.constant 25600 : i32
          %lt3A_369 = vector.broadcast %lt3A_368 : i32 to vector<16xi32>
          %lt3A_370 = arith.cmpi ult, %sub3A_367, %lt3A_369 : vector<16xi32>
          %jit3A_371 = arith.constant 0 : i32
          %broadcast_in_dim3A_372 = vector.broadcast %jit3A_371 : i32 to vector<16xi32>
          %select_n3A_373 = arith.select %lt3A_370, %sub3A_367, %broadcast_in_dim3A_372 : vector<16xi1>, vector<16xi32>
          tpu.vector_store_idx %arg8[%select_n3A_373], %gather3A_365 masked %lt3A_370 {add = true} : memref<25600xf32, #tpu.memory_space<vmem>>[vector<16xi32>], vector<16xf32>, vector<16xi1>
          %sub3A_374 = vector.broadcast %mul3A_79 : i32 to vector<16xi32>
          %sub3A_375 = arith.subi %get3A_363, %sub3A_374 : vector<16xi32>
          %lt3A_376 = arith.constant 25600 : i32
          %lt3A_377 = vector.broadcast %lt3A_376 : i32 to vector<16xi32>
          %lt3A_378 = arith.cmpi ult, %sub3A_375, %lt3A_377 : vector<16xi32>
          %jit3A_379 = arith.constant 0 : i32
          %broadcast_in_dim3A_380 = vector.broadcast %jit3A_379 : i32 to vector<16xi32>
          %select_n3A_381 = arith.select %lt3A_378, %sub3A_375, %broadcast_in_dim3A_380 : vector<16xi1>, vector<16xi32>
          tpu.vector_store_idx %arg8[%select_n3A_381], %gather3A_364 masked %lt3A_378 {add = true} : memref<25600xf32, #tpu.memory_space<vmem>>[vector<16xi32>], vector<16xf32>, vector<16xi1>
          %mul3A_382 = arith.constant 8 : i32
          %mul3A_383 = arith.muli %scan3A_224, %mul3A_382 : i32
          %add3A_384 = arith.constant 5 : i32
          %add3A_385 = arith.addi %mul3A_383, %add3A_384 : i32
          %mul3A_386 = arith.constant 16 : i32
          %mul3A_387 = arith.muli %add3A_385, %mul3A_386 : i32
          %get3A_388 = arith.constant 0 : i32
          %get3A_389 = arith.index_cast %get3A_388 : i32 to index
          %get3A_390 = arith.index_cast %mul3A_387 : i32 to index
          %get3A_391 = tpu.vector_load %arg12[%get3A_389, %get3A_390] {strides = array<i32>} : memref<2x512xi32, #tpu.memory_space<vmem>>, vector<16xi32>,
          %get3A_392 = arith.constant 0 : i32
          %get3A_393 = arith.index_cast %get3A_392 : i32 to index
          %get3A_394 = arith.index_cast %mul3A_387 : i32 to index
          %get3A_395 = tpu.vector_load %arg10[%get3A_393, %get3A_394] {strides = array<i32>} : memref<2x512xi32, #tpu.memory_space<vmem>>, vector<16xi32>,
          %gather3A_396 = tpu.vector_load_idx %arg9[%get3A_391] : memref<102400xf32, #tpu.memory_space<vmem>>[vector<16xi32>], vector<16xf32>,
          %gather3A_397 = tpu.vector_load_idx %arg9[%get3A_395] : memref<102400xf32, #tpu.memory_space<vmem>>[vector<16xi32>], vector<16xf32>,
          %sub3A_398 = vector.broadcast %mul3A_79 : i32 to vector<16xi32>
          %sub3A_399 = arith.subi %get3A_391, %sub3A_398 : vector<16xi32>
          %lt3A_400 = arith.constant 25600 : i32
          %lt3A_401 = vector.broadcast %lt3A_400 : i32 to vector<16xi32>
          %lt3A_402 = arith.cmpi ult, %sub3A_399, %lt3A_401 : vector<16xi32>
          %jit3A_403 = arith.constant 0 : i32
          %broadcast_in_dim3A_404 = vector.broadcast %jit3A_403 : i32 to vector<16xi32>
          %select_n3A_405 = arith.select %lt3A_402, %sub3A_399, %broadcast_in_dim3A_404 : vector<16xi1>, vector<16xi32>
          tpu.vector_store_idx %arg8[%select_n3A_405], %gather3A_397 masked %lt3A_402 {add = true} : memref<25600xf32, #tpu.memory_space<vmem>>[vector<16xi32>], vector<16xf32>, vector<16xi1>
          %sub3A_406 = vector.broadcast %mul3A_79 : i32 to vector<16xi32>
          %sub3A_407 = arith.subi %get3A_395, %sub3A_406 : vector<16xi32>
          %lt3A_408 = arith.constant 25600 : i32
          %lt3A_409 = vector.broadcast %lt3A_408 : i32 to vector<16xi32>
          %lt3A_410 = arith.cmpi ult, %sub3A_407, %lt3A_409 : vector<16xi32>
          %jit3A_411 = arith.constant 0 : i32
          %broadcast_in_dim3A_412 = vector.broadcast %jit3A_411 : i32 to vector<16xi32>
          %select_n3A_413 = arith.select %lt3A_410, %sub3A_407, %broadcast_in_dim3A_412 : vector<16xi1>, vector<16xi32>
          tpu.vector_store_idx %arg8[%select_n3A_413], %gather3A_396 masked %lt3A_410 {add = true} : memref<25600xf32, #tpu.memory_space<vmem>>[vector<16xi32>], vector<16xf32>, vector<16xi1>
          %mul3A_414 = arith.constant 8 : i32
          %mul3A_415 = arith.muli %scan3A_224, %mul3A_414 : i32
          %add3A_416 = arith.constant 6 : i32
          %add3A_417 = arith.addi %mul3A_415, %add3A_416 : i32
          %mul3A_418 = arith.constant 16 : i32
          %mul3A_419 = arith.muli %add3A_417, %mul3A_418 : i32
          %get3A_420 = arith.constant 0 : i32
          %get3A_421 = arith.index_cast %get3A_420 : i32 to index
          %get3A_422 = arith.index_cast %mul3A_419 : i32 to index
          %get3A_423 = tpu.vector_load %arg12[%get3A_421, %get3A_422] {strides = array<i32>} : memref<2x512xi32, #tpu.memory_space<vmem>>, vector<16xi32>,
          %get3A_424 = arith.constant 0 : i32
          %get3A_425 = arith.index_cast %get3A_424 : i32 to index
          %get3A_426 = arith.index_cast %mul3A_419 : i32 to index
          %get3A_427 = tpu.vector_load %arg10[%get3A_425, %get3A_426] {strides = array<i32>} : memref<2x512xi32, #tpu.memory_space<vmem>>, vector<16xi32>,
          %gather3A_428 = tpu.vector_load_idx %arg9[%get3A_423] : memref<102400xf32, #tpu.memory_space<vmem>>[vector<16xi32>], vector<16xf32>,
          %gather3A_429 = tpu.vector_load_idx %arg9[%get3A_427] : memref<102400xf32, #tpu.memory_space<vmem>>[vector<16xi32>], vector<16xf32>,
          %sub3A_430 = vector.broadcast %mul3A_79 : i32 to vector<16xi32>
          %sub3A_431 = arith.subi %get3A_423, %sub3A_430 : vector<16xi32>
          %lt3A_432 = arith.constant 25600 : i32
          %lt3A_433 = vector.broadcast %lt3A_432 : i32 to vector<16xi32>
          %lt3A_434 = arith.cmpi ult, %sub3A_431, %lt3A_433 : vector<16xi32>
          %jit3A_435 = arith.constant 0 : i32
          %broadcast_in_dim3A_436 = vector.broadcast %jit3A_435 : i32 to vector<16xi32>
          %select_n3A_437 = arith.select %lt3A_434, %sub3A_431, %broadcast_in_dim3A_436 : vector<16xi1>, vector<16xi32>
          tpu.vector_store_idx %arg8[%select_n3A_437], %gather3A_429 masked %lt3A_434 {add = true} : memref<25600xf32, #tpu.memory_space<vmem>>[vector<16xi32>], vector<16xf32>, vector<16xi1>
          %sub3A_438 = vector.broadcast %mul3A_79 : i32 to vector<16xi32>
          %sub3A_439 = arith.subi %get3A_427, %sub3A_438 : vector<16xi32>
          %lt3A_440 = arith.constant 25600 : i32
          %lt3A_441 = vector.broadcast %lt3A_440 : i32 to vector<16xi32>
          %lt3A_442 = arith.cmpi ult, %sub3A_439, %lt3A_441 : vector<16xi32>
          %jit3A_443 = arith.constant 0 : i32
          %broadcast_in_dim3A_444 = vector.broadcast %jit3A_443 : i32 to vector<16xi32>
          %select_n3A_445 = arith.select %lt3A_442, %sub3A_439, %broadcast_in_dim3A_444 : vector<16xi1>, vector<16xi32>
          tpu.vector_store_idx %arg8[%select_n3A_445], %gather3A_428 masked %lt3A_442 {add = true} : memref<25600xf32, #tpu.memory_space<vmem>>[vector<16xi32>], vector<16xf32>, vector<16xi1>
          %mul3A_446 = arith.constant 8 : i32
          %mul3A_447 = arith.muli %scan3A_224, %mul3A_446 : i32
          %add3A_448 = arith.constant 7 : i32
          %add3A_449 = arith.addi %mul3A_447, %add3A_448 : i32
          %mul3A_450 = arith.constant 16 : i32
          %mul3A_451 = arith.muli %add3A_449, %mul3A_450 : i32
          %get3A_452 = arith.constant 0 : i32
          %get3A_453 = arith.index_cast %get3A_452 : i32 to index
          %get3A_454 = arith.index_cast %mul3A_451 : i32 to index
          %get3A_455 = tpu.vector_load %arg12[%get3A_453, %get3A_454] {strides = array<i32>} : memref<2x512xi32, #tpu.memory_space<vmem>>, vector<16xi32>,
          %get3A_456 = arith.constant 0 : i32
          %get3A_457 = arith.index_cast %get3A_456 : i32 to index
          %get3A_458 = arith.index_cast %mul3A_451 : i32 to index
          %get3A_459 = tpu.vector_load %arg10[%get3A_457, %get3A_458] {strides = array<i32>} : memref<2x512xi32, #tpu.memory_space<vmem>>, vector<16xi32>,
          %gather3A_460 = tpu.vector_load_idx %arg9[%get3A_455] : memref<102400xf32, #tpu.memory_space<vmem>>[vector<16xi32>], vector<16xf32>,
          %gather3A_461 = tpu.vector_load_idx %arg9[%get3A_459] : memref<102400xf32, #tpu.memory_space<vmem>>[vector<16xi32>], vector<16xf32>,
          %sub3A_462 = vector.broadcast %mul3A_79 : i32 to vector<16xi32>
          %sub3A_463 = arith.subi %get3A_455, %sub3A_462 : vector<16xi32>
          %lt3A_464 = arith.constant 25600 : i32
          %lt3A_465 = vector.broadcast %lt3A_464 : i32 to vector<16xi32>
          %lt3A_466 = arith.cmpi ult, %sub3A_463, %lt3A_465 : vector<16xi32>
          %jit3A_467 = arith.constant 0 : i32
          %broadcast_in_dim3A_468 = vector.broadcast %jit3A_467 : i32 to vector<16xi32>
          %select_n3A_469 = arith.select %lt3A_466, %sub3A_463, %broadcast_in_dim3A_468 : vector<16xi1>, vector<16xi32>
          tpu.vector_store_idx %arg8[%select_n3A_469], %gather3A_461 masked %lt3A_466 {add = true} : memref<25600xf32, #tpu.memory_space<vmem>>[vector<16xi32>], vector<16xf32>, vector<16xi1>
          %sub3A_470 = vector.broadcast %mul3A_79 : i32 to vector<16xi32>
          %sub3A_471 = arith.subi %get3A_459, %sub3A_470 : vector<16xi32>
          %lt3A_472 = arith.constant 25600 : i32
          %lt3A_473 = vector.broadcast %lt3A_472 : i32 to vector<16xi32>
          %lt3A_474 = arith.cmpi ult, %sub3A_471, %lt3A_473 : vector<16xi32>
          %jit3A_475 = arith.constant 0 : i32
          %broadcast_in_dim3A_476 = vector.broadcast %jit3A_475 : i32 to vector<16xi32>
          %select_n3A_477 = arith.select %lt3A_474, %sub3A_471, %broadcast_in_dim3A_476 : vector<16xi1>, vector<16xi32>
          tpu.vector_store_idx %arg8[%select_n3A_477], %gather3A_460 masked %lt3A_474 {add = true} : memref<25600xf32, #tpu.memory_space<vmem>>[vector<16xi32>], vector<16xf32>, vector<16xi1>
        }
        %scan3A_180 = arith.constant 4 : i32
        %add3A_181 = arith.constant 2 : i32
        %add3A_182 = arith.addi %mul3A_114, %add3A_181 : i32
        %lt3A_183 = arith.constant 3128 : i32
        %lt3A_184 = arith.cmpi slt, %add3A_182, %lt3A_183 : i32
        %convert_element_type3A_185 = arith.extui %lt3A_184 : i1 to i32
        %cond3A_186 = arith.constant 0 : i32
        %cond3A_187 = arith.cmpi ne, %convert_element_type3A_185, %cond3A_186 : i32
        scf.if %cond3A_187 {
          %add3A_224 = arith.constant 2 : i32
          %add3A_225 = arith.addi %mul3A_114, %add3A_224 : i32
          %mul3A_226 = arith.constant 512 : i32
          %mul3A_227 = arith.muli %add3A_225, %mul3A_226 : i32
          %add3A_228 = arith.addi %mul3A_81, %mul3A_227 : i32
          %dma_start3A_229 = arith.constant 0 : i32
          %dma_start3A_230 = arith.constant 0 : i32
          %dma_start3A_231 = arith.constant 0 : i32
          %dma_start3A_232 = arith.constant 0 : i32
          %dma_start3A_233 = tpu.memref_slice %arg12[%dma_start3A_229, %dma_start3A_232] : memref<2x512xi32, #tpu.memory_space<vmem>> -> memref<1x512xi32, #tpu.memory_space<vmem>>
          %dma_start3A_234 = tpu.memref_squeeze %dma_start3A_233 : memref<1x512xi32, #tpu.memory_space<vmem>> -> memref<512xi32, #tpu.memory_space<vmem>>
          %dma_start3A_235 = tpu.memref_slice %arg3[%add3A_228] : memref<3203072xi32, #tpu.memory_space<hbm>> -> memref<512xi32, #tpu.memory_space<hbm>>
          %dma_start3A_236 = tpu.memref_slice %arg11[%dma_start3A_230, %dma_start3A_231] : memref<2x2x!tpu.dma_semaphore, #tpu.memory_space<semaphore_mem>> -> memref<1x1x!tpu.dma_semaphore, #tpu.memory_space<semaphore_mem>>
          %dma_start3A_237 = tpu.memref_squeeze %dma_start3A_236 : memref<1x1x!tpu.dma_semaphore, #tpu.memory_space<semaphore_mem>> -> memref<!tpu.dma_semaphore, #tpu.memory_space<semaphore_mem>>
          %dma_start3A_238 = arith.constant 0 : i32
          %dma_start3A_239 = tpu.memref_slice %arg12[%dma_start3A_229, %dma_start3A_238] : memref<2x512xi32, #tpu.memory_space<vmem>> -> memref<1x512xi32, #tpu.memory_space<vmem>>
          %dma_start3A_240 = tpu.memref_squeeze %dma_start3A_239 : memref<1x512xi32, #tpu.memory_space<vmem>> -> memref<512xi32, #tpu.memory_space<vmem>>
          %dma_start3A_241 = tpu.memref_slice %arg3[%add3A_228] : memref<3203072xi32, #tpu.memory_space<hbm>> -> memref<512xi32, #tpu.memory_space<hbm>>
          tpu.enqueue_dma source(%dma_start3A_241 : memref<512xi32, #tpu.memory_space<hbm>>) target(%dma_start3A_240 : memref<512xi32, #tpu.memory_space<vmem>>) target_semaphore(%dma_start3A_237 : memref<!tpu.dma_semaphore, #tpu.memory_space<semaphore_mem>>)
          %dma_start3A_242 = arith.constant 0 : i32
          %dma_start3A_243 = arith.constant 0 : i32
          %dma_start3A_244 = arith.constant 1 : i32
          %dma_start3A_245 = arith.constant 0 : i32
          %dma_start3A_246 = tpu.memref_slice %arg10[%dma_start3A_242, %dma_start3A_245] : memref<2x512xi32, #tpu.memory_space<vmem>> -> memref<1x512xi32, #tpu.memory_space<vmem>>
          %dma_start3A_247 = tpu.memref_squeeze %dma_start3A_246 : memref<1x512xi32, #tpu.memory_space<vmem>> -> memref<512xi32, #tpu.memory_space<vmem>>
          %dma_start3A_248 = tpu.memref_slice %arg4[%add3A_228] : memref<3203072xi32, #tpu.memory_space<hbm>> -> memref<512xi32, #tpu.memory_space<hbm>>
          %dma_start3A_249 = tpu.memref_slice %arg11[%dma_start3A_243, %dma_start3A_244] : memref<2x2x!tpu.dma_semaphore, #tpu.memory_space<semaphore_mem>> -> memref<1x1x!tpu.dma_semaphore, #tpu.memory_space<semaphore_mem>>
          %dma_start3A_250 = tpu.memref_squeeze %dma_start3A_249 : memref<1x1x!tpu.dma_semaphore, #tpu.memory_space<semaphore_mem>> -> memref<!tpu.dma_semaphore, #tpu.memory_space<semaphore_mem>>
          %dma_start3A_251 = arith.constant 0 : i32
          %dma_start3A_252 = tpu.memref_slice %arg10[%dma_start3A_242, %dma_start3A_251] : memref<2x512xi32, #tpu.memory_space<vmem>> -> memref<1x512xi32, #tpu.memory_space<vmem>>
          %dma_start3A_253 = tpu.memref_squeeze %dma_start3A_252 : memref<1x512xi32, #tpu.memory_space<vmem>> -> memref<512xi32, #tpu.memory_space<vmem>>
          %dma_start3A_254 = tpu.memref_slice %arg4[%add3A_228] : memref<3203072xi32, #tpu.memory_space<hbm>> -> memref<512xi32, #tpu.memory_space<hbm>>
          tpu.enqueue_dma source(%dma_start3A_254 : memref<512xi32, #tpu.memory_space<hbm>>) target(%dma_start3A_253 : memref<512xi32, #tpu.memory_space<vmem>>) target_semaphore(%dma_start3A_250 : memref<!tpu.dma_semaphore, #tpu.memory_space<semaphore_mem>>)
        } else {
        }
        %dma_wait3A_188 = arith.constant 1 : i32
        %dma_wait3A_189 = arith.constant 1 : i32
        %dma_wait3A_190 = arith.constant 0 : i32
        %dma_wait3A_191 = arith.constant 0 : i32
        %dma_wait3A_192 = tpu.memref_slice %arg12[%dma_wait3A_188, %dma_wait3A_191] : memref<2x512xi32, #tpu.memory_space<vmem>> -> memref<1x512xi32, #tpu.memory_space<vmem>>
        %dma_wait3A_193 = tpu.memref_squeeze %dma_wait3A_192 : memref<1x512xi32, #tpu.memory_space<vmem>> -> memref<512xi32, #tpu.memory_space<vmem>>
        %dma_wait3A_194 = arith.constant 0 : i32
        %dma_wait3A_195 = tpu.memref_slice %arg3[%dma_wait3A_194] : memref<3203072xi32, #tpu.memory_space<hbm>> -> memref<512xi32, #tpu.memory_space<hbm>>
        %dma_wait3A_196 = tpu.memref_slice %arg11[%dma_wait3A_189, %dma_wait3A_190] : memref<2x2x!tpu.dma_semaphore, #tpu.memory_space<semaphore_mem>> -> memref<1x1x!tpu.dma_semaphore, #tpu.memory_space<semaphore_mem>>
        %dma_wait3A_197 = tpu.memref_squeeze %dma_wait3A_196 : memref<1x1x!tpu.dma_semaphore, #tpu.memory_space<semaphore_mem>> -> memref<!tpu.dma_semaphore, #tpu.memory_space<semaphore_mem>>
        %dma_wait3A_198 = arith.constant 0 : i32
        %dma_wait3A_199 = tpu.memref_slice %arg12[%dma_wait3A_188, %dma_wait3A_198] : memref<2x512xi32, #tpu.memory_space<vmem>> -> memref<1x512xi32, #tpu.memory_space<vmem>>
        %dma_wait3A_200 = tpu.memref_squeeze %dma_wait3A_199 : memref<1x512xi32, #tpu.memory_space<vmem>> -> memref<512xi32, #tpu.memory_space<vmem>>
        %dma_wait3A_201 = arith.constant 0 : i32
        %dma_wait3A_202 = tpu.memref_slice %arg3[%dma_wait3A_201] : memref<3203072xi32, #tpu.memory_space<hbm>> -> memref<512xi32, #tpu.memory_space<hbm>>
        tpu.wait_dma2 semaphore(%dma_wait3A_197 : memref<!tpu.dma_semaphore, #tpu.memory_space<semaphore_mem>>) src(%dma_wait3A_202 : memref<512xi32, #tpu.memory_space<hbm>>) dst(%dma_wait3A_200 : memref<512xi32, #tpu.memory_space<vmem>>)
        %dma_wait3A_203 = arith.constant 1 : i32
        %dma_wait3A_204 = arith.constant 1 : i32
        %dma_wait3A_205 = arith.constant 1 : i32
        %dma_wait3A_206 = arith.constant 0 : i32
        %dma_wait3A_207 = tpu.memref_slice %arg10[%dma_wait3A_203, %dma_wait3A_206] : memref<2x512xi32, #tpu.memory_space<vmem>> -> memref<1x512xi32, #tpu.memory_space<vmem>>
        %dma_wait3A_208 = tpu.memref_squeeze %dma_wait3A_207 : memref<1x512xi32, #tpu.memory_space<vmem>> -> memref<512xi32, #tpu.memory_space<vmem>>
        %dma_wait3A_209 = arith.constant 0 : i32
        %dma_wait3A_210 = tpu.memref_slice %arg4[%dma_wait3A_209] : memref<3203072xi32, #tpu.memory_space<hbm>> -> memref<512xi32, #tpu.memory_space<hbm>>
        %dma_wait3A_211 = tpu.memref_slice %arg11[%dma_wait3A_204, %dma_wait3A_205] : memref<2x2x!tpu.dma_semaphore, #tpu.memory_space<semaphore_mem>> -> memref<1x1x!tpu.dma_semaphore, #tpu.memory_space<semaphore_mem>>
        %dma_wait3A_212 = tpu.memref_squeeze %dma_wait3A_211 : memref<1x1x!tpu.dma_semaphore, #tpu.memory_space<semaphore_mem>> -> memref<!tpu.dma_semaphore, #tpu.memory_space<semaphore_mem>>
        %dma_wait3A_213 = arith.constant 0 : i32
        %dma_wait3A_214 = tpu.memref_slice %arg10[%dma_wait3A_203, %dma_wait3A_213] : memref<2x512xi32, #tpu.memory_space<vmem>> -> memref<1x512xi32, #tpu.memory_space<vmem>>
        %dma_wait3A_215 = tpu.memref_squeeze %dma_wait3A_214 : memref<1x512xi32, #tpu.memory_space<vmem>> -> memref<512xi32, #tpu.memory_space<vmem>>
        %dma_wait3A_216 = arith.constant 0 : i32
        %dma_wait3A_217 = tpu.memref_slice %arg4[%dma_wait3A_216] : memref<3203072xi32, #tpu.memory_space<hbm>> -> memref<512xi32, #tpu.memory_space<hbm>>
        tpu.wait_dma2 semaphore(%dma_wait3A_212 : memref<!tpu.dma_semaphore, #tpu.memory_space<semaphore_mem>>) src(%dma_wait3A_217 : memref<512xi32, #tpu.memory_space<hbm>>) dst(%dma_wait3A_215 : memref<512xi32, #tpu.memory_space<vmem>>)
        %scan3A_218 = arith.constant 0 : i32
        %scan3A_219 = arith.constant 0 : i32
        %scan3A_220 = arith.constant 4 : i32
        %scan3A_221 = arith.addi %scan3A_219, %scan3A_220 : i32
        %scan3A_222 = arith.constant 1 : i32
        scf.for %scan3A_224 = %scan3A_219 to %scan3A_221 step %scan3A_222  : i32 {
          %mul3A_225 = arith.constant 8 : i32
          %mul3A_226 = arith.muli %scan3A_224, %mul3A_225 : i32
          %add3A_227 = arith.constant 0 : i32
          %add3A_228 = arith.addi %mul3A_226, %add3A_227 : i32
          %mul3A_229 = arith.constant 16 : i32
          %mul3A_230 = arith.muli %add3A_228, %mul3A_229 : i32
          %get3A = arith.constant 1 : i32
          %get3A_231 = arith.index_cast %get3A : i32 to index
          %get3A_232 = arith.index_cast %mul3A_230 : i32 to index
          %get3A_233 = tpu.vector_load %arg12[%get3A_231, %get3A_232] {strides = array<i32>} : memref<2x512xi32, #tpu.memory_space<vmem>>, vector<16xi32>,
          %get3A_234 = arith.constant 1 : i32
          %get3A_235 = arith.index_cast %get3A_234 : i32 to index
          %get3A_236 = arith.index_cast %mul3A_230 : i32 to index
          %get3A_237 = tpu.vector_load %arg10[%get3A_235, %get3A_236] {strides = array<i32>} : memref<2x512xi32, #tpu.memory_space<vmem>>, vector<16xi32>,
          %gather3A = tpu.vector_load_idx %arg9[%get3A_233] : memref<102400xf32, #tpu.memory_space<vmem>>[vector<16xi32>], vector<16xf32>,
          %gather3A_238 = tpu.vector_load_idx %arg9[%get3A_237] : memref<102400xf32, #tpu.memory_space<vmem>>[vector<16xi32>], vector<16xf32>,
          %sub3A_239 = vector.broadcast %mul3A_79 : i32 to vector<16xi32>
          %sub3A_240 = arith.subi %get3A_233, %sub3A_239 : vector<16xi32>
          %lt3A_241 = arith.constant 25600 : i32
          %lt3A_242 = vector.broadcast %lt3A_241 : i32 to vector<16xi32>
          %lt3A_243 = arith.cmpi ult, %sub3A_240, %lt3A_242 : vector<16xi32>
          %jit3A_244 = arith.constant 0 : i32
          %broadcast_in_dim3A = vector.broadcast %jit3A_244 : i32 to vector<16xi32>
          %select_n3A_245 = arith.select %lt3A_243, %sub3A_240, %broadcast_in_dim3A : vector<16xi1>, vector<16xi32>
          tpu.vector_store_idx %arg8[%select_n3A_245], %gather3A_238 masked %lt3A_243 {add = true} : memref<25600xf32, #tpu.memory_space<vmem>>[vector<16xi32>], vector<16xf32>, vector<16xi1>
          %sub3A_246 = vector.broadcast %mul3A_79 : i32 to vector<16xi32>
          %sub3A_247 = arith.subi %get3A_237, %sub3A_246 : vector<16xi32>
          %lt3A_248 = arith.constant 25600 : i32
          %lt3A_249 = vector.broadcast %lt3A_248 : i32 to vector<16xi32>
          %lt3A_250 = arith.cmpi ult, %sub3A_247, %lt3A_249 : vector<16xi32>
          %jit3A_251 = arith.constant 0 : i32
          %broadcast_in_dim3A_252 = vector.broadcast %jit3A_251 : i32 to vector<16xi32>
          %select_n3A_253 = arith.select %lt3A_250, %sub3A_247, %broadcast_in_dim3A_252 : vector<16xi1>, vector<16xi32>
          tpu.vector_store_idx %arg8[%select_n3A_253], %gather3A masked %lt3A_250 {add = true} : memref<25600xf32, #tpu.memory_space<vmem>>[vector<16xi32>], vector<16xf32>, vector<16xi1>
          %mul3A_254 = arith.constant 8 : i32
          %mul3A_255 = arith.muli %scan3A_224, %mul3A_254 : i32
          %add3A_256 = arith.constant 1 : i32
          %add3A_257 = arith.addi %mul3A_255, %add3A_256 : i32
          %mul3A_258 = arith.constant 16 : i32
          %mul3A_259 = arith.muli %add3A_257, %mul3A_258 : i32
          %get3A_260 = arith.constant 1 : i32
          %get3A_261 = arith.index_cast %get3A_260 : i32 to index
          %get3A_262 = arith.index_cast %mul3A_259 : i32 to index
          %get3A_263 = tpu.vector_load %arg12[%get3A_261, %get3A_262] {strides = array<i32>} : memref<2x512xi32, #tpu.memory_space<vmem>>, vector<16xi32>,
          %get3A_264 = arith.constant 1 : i32
          %get3A_265 = arith.index_cast %get3A_264 : i32 to index
          %get3A_266 = arith.index_cast %mul3A_259 : i32 to index
          %get3A_267 = tpu.vector_load %arg10[%get3A_265, %get3A_266] {strides = array<i32>} : memref<2x512xi32, #tpu.memory_space<vmem>>, vector<16xi32>,
          %gather3A_268 = tpu.vector_load_idx %arg9[%get3A_263] : memref<102400xf32, #tpu.memory_space<vmem>>[vector<16xi32>], vector<16xf32>,
          %gather3A_269 = tpu.vector_load_idx %arg9[%get3A_267] : memref<102400xf32, #tpu.memory_space<vmem>>[vector<16xi32>], vector<16xf32>,
          %sub3A_270 = vector.broadcast %mul3A_79 : i32 to vector<16xi32>
          %sub3A_271 = arith.subi %get3A_263, %sub3A_270 : vector<16xi32>
          %lt3A_272 = arith.constant 25600 : i32
          %lt3A_273 = vector.broadcast %lt3A_272 : i32 to vector<16xi32>
          %lt3A_274 = arith.cmpi ult, %sub3A_271, %lt3A_273 : vector<16xi32>
          %jit3A_275 = arith.constant 0 : i32
          %broadcast_in_dim3A_276 = vector.broadcast %jit3A_275 : i32 to vector<16xi32>
          %select_n3A_277 = arith.select %lt3A_274, %sub3A_271, %broadcast_in_dim3A_276 : vector<16xi1>, vector<16xi32>
          tpu.vector_store_idx %arg8[%select_n3A_277], %gather3A_269 masked %lt3A_274 {add = true} : memref<25600xf32, #tpu.memory_space<vmem>>[vector<16xi32>], vector<16xf32>, vector<16xi1>
          %sub3A_278 = vector.broadcast %mul3A_79 : i32 to vector<16xi32>
          %sub3A_279 = arith.subi %get3A_267, %sub3A_278 : vector<16xi32>
          %lt3A_280 = arith.constant 25600 : i32
          %lt3A_281 = vector.broadcast %lt3A_280 : i32 to vector<16xi32>
          %lt3A_282 = arith.cmpi ult, %sub3A_279, %lt3A_281 : vector<16xi32>
          %jit3A_283 = arith.constant 0 : i32
          %broadcast_in_dim3A_284 = vector.broadcast %jit3A_283 : i32 to vector<16xi32>
          %select_n3A_285 = arith.select %lt3A_282, %sub3A_279, %broadcast_in_dim3A_284 : vector<16xi1>, vector<16xi32>
          tpu.vector_store_idx %arg8[%select_n3A_285], %gather3A_268 masked %lt3A_282 {add = true} : memref<25600xf32, #tpu.memory_space<vmem>>[vector<16xi32>], vector<16xf32>, vector<16xi1>
          %mul3A_286 = arith.constant 8 : i32
          %mul3A_287 = arith.muli %scan3A_224, %mul3A_286 : i32
          %add3A_288 = arith.constant 2 : i32
          %add3A_289 = arith.addi %mul3A_287, %add3A_288 : i32
          %mul3A_290 = arith.constant 16 : i32
          %mul3A_291 = arith.muli %add3A_289, %mul3A_290 : i32
          %get3A_292 = arith.constant 1 : i32
          %get3A_293 = arith.index_cast %get3A_292 : i32 to index
          %get3A_294 = arith.index_cast %mul3A_291 : i32 to index
          %get3A_295 = tpu.vector_load %arg12[%get3A_293, %get3A_294] {strides = array<i32>} : memref<2x512xi32, #tpu.memory_space<vmem>>, vector<16xi32>,
          %get3A_296 = arith.constant 1 : i32
          %get3A_297 = arith.index_cast %get3A_296 : i32 to index
          %get3A_298 = arith.index_cast %mul3A_291 : i32 to index
          %get3A_299 = tpu.vector_load %arg10[%get3A_297, %get3A_298] {strides = array<i32>} : memref<2x512xi32, #tpu.memory_space<vmem>>, vector<16xi32>,
          %gather3A_300 = tpu.vector_load_idx %arg9[%get3A_295] : memref<102400xf32, #tpu.memory_space<vmem>>[vector<16xi32>], vector<16xf32>,
          %gather3A_301 = tpu.vector_load_idx %arg9[%get3A_299] : memref<102400xf32, #tpu.memory_space<vmem>>[vector<16xi32>], vector<16xf32>,
          %sub3A_302 = vector.broadcast %mul3A_79 : i32 to vector<16xi32>
          %sub3A_303 = arith.subi %get3A_295, %sub3A_302 : vector<16xi32>
          %lt3A_304 = arith.constant 25600 : i32
          %lt3A_305 = vector.broadcast %lt3A_304 : i32 to vector<16xi32>
          %lt3A_306 = arith.cmpi ult, %sub3A_303, %lt3A_305 : vector<16xi32>
          %jit3A_307 = arith.constant 0 : i32
          %broadcast_in_dim3A_308 = vector.broadcast %jit3A_307 : i32 to vector<16xi32>
          %select_n3A_309 = arith.select %lt3A_306, %sub3A_303, %broadcast_in_dim3A_308 : vector<16xi1>, vector<16xi32>
          tpu.vector_store_idx %arg8[%select_n3A_309], %gather3A_301 masked %lt3A_306 {add = true} : memref<25600xf32, #tpu.memory_space<vmem>>[vector<16xi32>], vector<16xf32>, vector<16xi1>
          %sub3A_310 = vector.broadcast %mul3A_79 : i32 to vector<16xi32>
          %sub3A_311 = arith.subi %get3A_299, %sub3A_310 : vector<16xi32>
          %lt3A_312 = arith.constant 25600 : i32
          %lt3A_313 = vector.broadcast %lt3A_312 : i32 to vector<16xi32>
          %lt3A_314 = arith.cmpi ult, %sub3A_311, %lt3A_313 : vector<16xi32>
          %jit3A_315 = arith.constant 0 : i32
          %broadcast_in_dim3A_316 = vector.broadcast %jit3A_315 : i32 to vector<16xi32>
          %select_n3A_317 = arith.select %lt3A_314, %sub3A_311, %broadcast_in_dim3A_316 : vector<16xi1>, vector<16xi32>
          tpu.vector_store_idx %arg8[%select_n3A_317], %gather3A_300 masked %lt3A_314 {add = true} : memref<25600xf32, #tpu.memory_space<vmem>>[vector<16xi32>], vector<16xf32>, vector<16xi1>
          %mul3A_318 = arith.constant 8 : i32
          %mul3A_319 = arith.muli %scan3A_224, %mul3A_318 : i32
          %add3A_320 = arith.constant 3 : i32
          %add3A_321 = arith.addi %mul3A_319, %add3A_320 : i32
          %mul3A_322 = arith.constant 16 : i32
          %mul3A_323 = arith.muli %add3A_321, %mul3A_322 : i32
          %get3A_324 = arith.constant 1 : i32
          %get3A_325 = arith.index_cast %get3A_324 : i32 to index
          %get3A_326 = arith.index_cast %mul3A_323 : i32 to index
          %get3A_327 = tpu.vector_load %arg12[%get3A_325, %get3A_326] {strides = array<i32>} : memref<2x512xi32, #tpu.memory_space<vmem>>, vector<16xi32>,
          %get3A_328 = arith.constant 1 : i32
          %get3A_329 = arith.index_cast %get3A_328 : i32 to index
          %get3A_330 = arith.index_cast %mul3A_323 : i32 to index
          %get3A_331 = tpu.vector_load %arg10[%get3A_329, %get3A_330] {strides = array<i32>} : memref<2x512xi32, #tpu.memory_space<vmem>>, vector<16xi32>,
          %gather3A_332 = tpu.vector_load_idx %arg9[%get3A_327] : memref<102400xf32, #tpu.memory_space<vmem>>[vector<16xi32>], vector<16xf32>,
          %gather3A_333 = tpu.vector_load_idx %arg9[%get3A_331] : memref<102400xf32, #tpu.memory_space<vmem>>[vector<16xi32>], vector<16xf32>,
          %sub3A_334 = vector.broadcast %mul3A_79 : i32 to vector<16xi32>
          %sub3A_335 = arith.subi %get3A_327, %sub3A_334 : vector<16xi32>
          %lt3A_336 = arith.constant 25600 : i32
          %lt3A_337 = vector.broadcast %lt3A_336 : i32 to vector<16xi32>
          %lt3A_338 = arith.cmpi ult, %sub3A_335, %lt3A_337 : vector<16xi32>
          %jit3A_339 = arith.constant 0 : i32
          %broadcast_in_dim3A_340 = vector.broadcast %jit3A_339 : i32 to vector<16xi32>
          %select_n3A_341 = arith.select %lt3A_338, %sub3A_335, %broadcast_in_dim3A_340 : vector<16xi1>, vector<16xi32>
          tpu.vector_store_idx %arg8[%select_n3A_341], %gather3A_333 masked %lt3A_338 {add = true} : memref<25600xf32, #tpu.memory_space<vmem>>[vector<16xi32>], vector<16xf32>, vector<16xi1>
          %sub3A_342 = vector.broadcast %mul3A_79 : i32 to vector<16xi32>
          %sub3A_343 = arith.subi %get3A_331, %sub3A_342 : vector<16xi32>
          %lt3A_344 = arith.constant 25600 : i32
          %lt3A_345 = vector.broadcast %lt3A_344 : i32 to vector<16xi32>
          %lt3A_346 = arith.cmpi ult, %sub3A_343, %lt3A_345 : vector<16xi32>
          %jit3A_347 = arith.constant 0 : i32
          %broadcast_in_dim3A_348 = vector.broadcast %jit3A_347 : i32 to vector<16xi32>
          %select_n3A_349 = arith.select %lt3A_346, %sub3A_343, %broadcast_in_dim3A_348 : vector<16xi1>, vector<16xi32>
          tpu.vector_store_idx %arg8[%select_n3A_349], %gather3A_332 masked %lt3A_346 {add = true} : memref<25600xf32, #tpu.memory_space<vmem>>[vector<16xi32>], vector<16xf32>, vector<16xi1>
          %mul3A_350 = arith.constant 8 : i32
          %mul3A_351 = arith.muli %scan3A_224, %mul3A_350 : i32
          %add3A_352 = arith.constant 4 : i32
          %add3A_353 = arith.addi %mul3A_351, %add3A_352 : i32
          %mul3A_354 = arith.constant 16 : i32
          %mul3A_355 = arith.muli %add3A_353, %mul3A_354 : i32
          %get3A_356 = arith.constant 1 : i32
          %get3A_357 = arith.index_cast %get3A_356 : i32 to index
          %get3A_358 = arith.index_cast %mul3A_355 : i32 to index
          %get3A_359 = tpu.vector_load %arg12[%get3A_357, %get3A_358] {strides = array<i32>} : memref<2x512xi32, #tpu.memory_space<vmem>>, vector<16xi32>,
          %get3A_360 = arith.constant 1 : i32
          %get3A_361 = arith.index_cast %get3A_360 : i32 to index
          %get3A_362 = arith.index_cast %mul3A_355 : i32 to index
          %get3A_363 = tpu.vector_load %arg10[%get3A_361, %get3A_362] {strides = array<i32>} : memref<2x512xi32, #tpu.memory_space<vmem>>, vector<16xi32>,
          %gather3A_364 = tpu.vector_load_idx %arg9[%get3A_359] : memref<102400xf32, #tpu.memory_space<vmem>>[vector<16xi32>], vector<16xf32>,
          %gather3A_365 = tpu.vector_load_idx %arg9[%get3A_363] : memref<102400xf32, #tpu.memory_space<vmem>>[vector<16xi32>], vector<16xf32>,
          %sub3A_366 = vector.broadcast %mul3A_79 : i32 to vector<16xi32>
          %sub3A_367 = arith.subi %get3A_359, %sub3A_366 : vector<16xi32>
          %lt3A_368 = arith.constant 25600 : i32
          %lt3A_369 = vector.broadcast %lt3A_368 : i32 to vector<16xi32>
          %lt3A_370 = arith.cmpi ult, %sub3A_367, %lt3A_369 : vector<16xi32>
          %jit3A_371 = arith.constant 0 : i32
          %broadcast_in_dim3A_372 = vector.broadcast %jit3A_371 : i32 to vector<16xi32>
          %select_n3A_373 = arith.select %lt3A_370, %sub3A_367, %broadcast_in_dim3A_372 : vector<16xi1>, vector<16xi32>
          tpu.vector_store_idx %arg8[%select_n3A_373], %gather3A_365 masked %lt3A_370 {add = true} : memref<25600xf32, #tpu.memory_space<vmem>>[vector<16xi32>], vector<16xf32>, vector<16xi1>
          %sub3A_374 = vector.broadcast %mul3A_79 : i32 to vector<16xi32>
          %sub3A_375 = arith.subi %get3A_363, %sub3A_374 : vector<16xi32>
          %lt3A_376 = arith.constant 25600 : i32
          %lt3A_377 = vector.broadcast %lt3A_376 : i32 to vector<16xi32>
          %lt3A_378 = arith.cmpi ult, %sub3A_375, %lt3A_377 : vector<16xi32>
          %jit3A_379 = arith.constant 0 : i32
          %broadcast_in_dim3A_380 = vector.broadcast %jit3A_379 : i32 to vector<16xi32>
          %select_n3A_381 = arith.select %lt3A_378, %sub3A_375, %broadcast_in_dim3A_380 : vector<16xi1>, vector<16xi32>
          tpu.vector_store_idx %arg8[%select_n3A_381], %gather3A_364 masked %lt3A_378 {add = true} : memref<25600xf32, #tpu.memory_space<vmem>>[vector<16xi32>], vector<16xf32>, vector<16xi1>
          %mul3A_382 = arith.constant 8 : i32
          %mul3A_383 = arith.muli %scan3A_224, %mul3A_382 : i32
          %add3A_384 = arith.constant 5 : i32
          %add3A_385 = arith.addi %mul3A_383, %add3A_384 : i32
          %mul3A_386 = arith.constant 16 : i32
          %mul3A_387 = arith.muli %add3A_385, %mul3A_386 : i32
          %get3A_388 = arith.constant 1 : i32
          %get3A_389 = arith.index_cast %get3A_388 : i32 to index
          %get3A_390 = arith.index_cast %mul3A_387 : i32 to index
          %get3A_391 = tpu.vector_load %arg12[%get3A_389, %get3A_390] {strides = array<i32>} : memref<2x512xi32, #tpu.memory_space<vmem>>, vector<16xi32>,
          %get3A_392 = arith.constant 1 : i32
          %get3A_393 = arith.index_cast %get3A_392 : i32 to index
          %get3A_394 = arith.index_cast %mul3A_387 : i32 to index
          %get3A_395 = tpu.vector_load %arg10[%get3A_393, %get3A_394] {strides = array<i32>} : memref<2x512xi32, #tpu.memory_space<vmem>>, vector<16xi32>,
          %gather3A_396 = tpu.vector_load_idx %arg9[%get3A_391] : memref<102400xf32, #tpu.memory_space<vmem>>[vector<16xi32>], vector<16xf32>,
          %gather3A_397 = tpu.vector_load_idx %arg9[%get3A_395] : memref<102400xf32, #tpu.memory_space<vmem>>[vector<16xi32>], vector<16xf32>,
          %sub3A_398 = vector.broadcast %mul3A_79 : i32 to vector<16xi32>
          %sub3A_399 = arith.subi %get3A_391, %sub3A_398 : vector<16xi32>
          %lt3A_400 = arith.constant 25600 : i32
          %lt3A_401 = vector.broadcast %lt3A_400 : i32 to vector<16xi32>
          %lt3A_402 = arith.cmpi ult, %sub3A_399, %lt3A_401 : vector<16xi32>
          %jit3A_403 = arith.constant 0 : i32
          %broadcast_in_dim3A_404 = vector.broadcast %jit3A_403 : i32 to vector<16xi32>
          %select_n3A_405 = arith.select %lt3A_402, %sub3A_399, %broadcast_in_dim3A_404 : vector<16xi1>, vector<16xi32>
          tpu.vector_store_idx %arg8[%select_n3A_405], %gather3A_397 masked %lt3A_402 {add = true} : memref<25600xf32, #tpu.memory_space<vmem>>[vector<16xi32>], vector<16xf32>, vector<16xi1>
          %sub3A_406 = vector.broadcast %mul3A_79 : i32 to vector<16xi32>
          %sub3A_407 = arith.subi %get3A_395, %sub3A_406 : vector<16xi32>
          %lt3A_408 = arith.constant 25600 : i32
          %lt3A_409 = vector.broadcast %lt3A_408 : i32 to vector<16xi32>
          %lt3A_410 = arith.cmpi ult, %sub3A_407, %lt3A_409 : vector<16xi32>
          %jit3A_411 = arith.constant 0 : i32
          %broadcast_in_dim3A_412 = vector.broadcast %jit3A_411 : i32 to vector<16xi32>
          %select_n3A_413 = arith.select %lt3A_410, %sub3A_407, %broadcast_in_dim3A_412 : vector<16xi1>, vector<16xi32>
          tpu.vector_store_idx %arg8[%select_n3A_413], %gather3A_396 masked %lt3A_410 {add = true} : memref<25600xf32, #tpu.memory_space<vmem>>[vector<16xi32>], vector<16xf32>, vector<16xi1>
          %mul3A_414 = arith.constant 8 : i32
          %mul3A_415 = arith.muli %scan3A_224, %mul3A_414 : i32
          %add3A_416 = arith.constant 6 : i32
          %add3A_417 = arith.addi %mul3A_415, %add3A_416 : i32
          %mul3A_418 = arith.constant 16 : i32
          %mul3A_419 = arith.muli %add3A_417, %mul3A_418 : i32
          %get3A_420 = arith.constant 1 : i32
          %get3A_421 = arith.index_cast %get3A_420 : i32 to index
          %get3A_422 = arith.index_cast %mul3A_419 : i32 to index
          %get3A_423 = tpu.vector_load %arg12[%get3A_421, %get3A_422] {strides = array<i32>} : memref<2x512xi32, #tpu.memory_space<vmem>>, vector<16xi32>,
          %get3A_424 = arith.constant 1 : i32
          %get3A_425 = arith.index_cast %get3A_424 : i32 to index
          %get3A_426 = arith.index_cast %mul3A_419 : i32 to index
          %get3A_427 = tpu.vector_load %arg10[%get3A_425, %get3A_426] {strides = array<i32>} : memref<2x512xi32, #tpu.memory_space<vmem>>, vector<16xi32>,
          %gather3A_428 = tpu.vector_load_idx %arg9[%get3A_423] : memref<102400xf32, #tpu.memory_space<vmem>>[vector<16xi32>], vector<16xf32>,
          %gather3A_429 = tpu.vector_load_idx %arg9[%get3A_427] : memref<102400xf32, #tpu.memory_space<vmem>>[vector<16xi32>], vector<16xf32>,
          %sub3A_430 = vector.broadcast %mul3A_79 : i32 to vector<16xi32>
          %sub3A_431 = arith.subi %get3A_423, %sub3A_430 : vector<16xi32>
          %lt3A_432 = arith.constant 25600 : i32
          %lt3A_433 = vector.broadcast %lt3A_432 : i32 to vector<16xi32>
          %lt3A_434 = arith.cmpi ult, %sub3A_431, %lt3A_433 : vector<16xi32>
          %jit3A_435 = arith.constant 0 : i32
          %broadcast_in_dim3A_436 = vector.broadcast %jit3A_435 : i32 to vector<16xi32>
          %select_n3A_437 = arith.select %lt3A_434, %sub3A_431, %broadcast_in_dim3A_436 : vector<16xi1>, vector<16xi32>
          tpu.vector_store_idx %arg8[%select_n3A_437], %gather3A_429 masked %lt3A_434 {add = true} : memref<25600xf32, #tpu.memory_space<vmem>>[vector<16xi32>], vector<16xf32>, vector<16xi1>
          %sub3A_438 = vector.broadcast %mul3A_79 : i32 to vector<16xi32>
          %sub3A_439 = arith.subi %get3A_427, %sub3A_438 : vector<16xi32>
          %lt3A_440 = arith.constant 25600 : i32
          %lt3A_441 = vector.broadcast %lt3A_440 : i32 to vector<16xi32>
          %lt3A_442 = arith.cmpi ult, %sub3A_439, %lt3A_441 : vector<16xi32>
          %jit3A_443 = arith.constant 0 : i32
          %broadcast_in_dim3A_444 = vector.broadcast %jit3A_443 : i32 to vector<16xi32>
          %select_n3A_445 = arith.select %lt3A_442, %sub3A_439, %broadcast_in_dim3A_444 : vector<16xi1>, vector<16xi32>
          tpu.vector_store_idx %arg8[%select_n3A_445], %gather3A_428 masked %lt3A_442 {add = true} : memref<25600xf32, #tpu.memory_space<vmem>>[vector<16xi32>], vector<16xf32>, vector<16xi1>
          %mul3A_446 = arith.constant 8 : i32
          %mul3A_447 = arith.muli %scan3A_224, %mul3A_446 : i32
          %add3A_448 = arith.constant 7 : i32
          %add3A_449 = arith.addi %mul3A_447, %add3A_448 : i32
          %mul3A_450 = arith.constant 16 : i32
          %mul3A_451 = arith.muli %add3A_449, %mul3A_450 : i32
          %get3A_452 = arith.constant 1 : i32
          %get3A_453 = arith.index_cast %get3A_452 : i32 to index
          %get3A_454 = arith.index_cast %mul3A_451 : i32 to index
          %get3A_455 = tpu.vector_load %arg12[%get3A_453, %get3A_454] {strides = array<i32>} : memref<2x512xi32, #tpu.memory_space<vmem>>, vector<16xi32>,
          %get3A_456 = arith.constant 1 : i32
          %get3A_457 = arith.index_cast %get3A_456 : i32 to index
          %get3A_458 = arith.index_cast %mul3A_451 : i32 to index
          %get3A_459 = tpu.vector_load %arg10[%get3A_457, %get3A_458] {strides = array<i32>} : memref<2x512xi32, #tpu.memory_space<vmem>>, vector<16xi32>,
          %gather3A_460 = tpu.vector_load_idx %arg9[%get3A_455] : memref<102400xf32, #tpu.memory_space<vmem>>[vector<16xi32>], vector<16xf32>,
          %gather3A_461 = tpu.vector_load_idx %arg9[%get3A_459] : memref<102400xf32, #tpu.memory_space<vmem>>[vector<16xi32>], vector<16xf32>,
          %sub3A_462 = vector.broadcast %mul3A_79 : i32 to vector<16xi32>
          %sub3A_463 = arith.subi %get3A_455, %sub3A_462 : vector<16xi32>
          %lt3A_464 = arith.constant 25600 : i32
          %lt3A_465 = vector.broadcast %lt3A_464 : i32 to vector<16xi32>
          %lt3A_466 = arith.cmpi ult, %sub3A_463, %lt3A_465 : vector<16xi32>
          %jit3A_467 = arith.constant 0 : i32
          %broadcast_in_dim3A_468 = vector.broadcast %jit3A_467 : i32 to vector<16xi32>
          %select_n3A_469 = arith.select %lt3A_466, %sub3A_463, %broadcast_in_dim3A_468 : vector<16xi1>, vector<16xi32>
          tpu.vector_store_idx %arg8[%select_n3A_469], %gather3A_461 masked %lt3A_466 {add = true} : memref<25600xf32, #tpu.memory_space<vmem>>[vector<16xi32>], vector<16xf32>, vector<16xi1>
          %sub3A_470 = vector.broadcast %mul3A_79 : i32 to vector<16xi32>
          %sub3A_471 = arith.subi %get3A_459, %sub3A_470 : vector<16xi32>
          %lt3A_472 = arith.constant 25600 : i32
          %lt3A_473 = vector.broadcast %lt3A_472 : i32 to vector<16xi32>
          %lt3A_474 = arith.cmpi ult, %sub3A_471, %lt3A_473 : vector<16xi32>
          %jit3A_475 = arith.constant 0 : i32
          %broadcast_in_dim3A_476 = vector.broadcast %jit3A_475 : i32 to vector<16xi32>
          %select_n3A_477 = arith.select %lt3A_474, %sub3A_471, %broadcast_in_dim3A_476 : vector<16xi1>, vector<16xi32>
          tpu.vector_store_idx %arg8[%select_n3A_477], %gather3A_460 masked %lt3A_474 {add = true} : memref<25600xf32, #tpu.memory_space<vmem>>[vector<16xi32>], vector<16xf32>, vector<16xi1>
        }
        %scan3A_223 = arith.constant 4 : i32
      }
      %scan3A_111 = arith.constant 1564 : i32
      "tpu.region"() ({
        %run_scoped3A = tpu.sem_alloc : memref<!tpu.dma_semaphore, #tpu.memory_space<semaphore_mem>>
        %dma_start3A_112 = tpu.memref_slice %arg6[%select_n3A, %select_n3A_77, %mul3A_79] : memref<3x2x102400xf32, #tpu.memory_space<hbm>> -> memref<1x1x25600xf32, #tpu.memory_space<hbm>>
        %dma_start3A_113 = tpu.memref_squeeze %dma_start3A_112 : memref<1x1x25600xf32, #tpu.memory_space<hbm>> -> memref<25600xf32, #tpu.memory_space<hbm>>
        %dma_start3A_114 = tpu.memref_slice %arg6[%select_n3A, %select_n3A_77, %mul3A_79] : memref<3x2x102400xf32, #tpu.memory_space<hbm>> -> memref<1x1x25600xf32, #tpu.memory_space<hbm>>
        %dma_start3A_115 = tpu.memref_squeeze %dma_start3A_114 : memref<1x1x25600xf32, #tpu.memory_space<hbm>> -> memref<25600xf32, #tpu.memory_space<hbm>>
        tpu.enqueue_dma source(%arg8 : memref<25600xf32, #tpu.memory_space<vmem>>) target(%dma_start3A_115 : memref<25600xf32, #tpu.memory_space<hbm>>) target_semaphore(%run_scoped3A : memref<!tpu.dma_semaphore, #tpu.memory_space<semaphore_mem>>)
        %dma_wait3A = tpu.memref_slice %arg6[%select_n3A, %select_n3A_77, %mul3A_79] : memref<3x2x102400xf32, #tpu.memory_space<hbm>> -> memref<1x1x25600xf32, #tpu.memory_space<hbm>>
        %dma_wait3A_116 = tpu.memref_squeeze %dma_wait3A : memref<1x1x25600xf32, #tpu.memory_space<hbm>> -> memref<25600xf32, #tpu.memory_space<hbm>>
        %dma_wait3A_117 = tpu.memref_slice %arg6[%select_n3A, %select_n3A_77, %mul3A_79] : memref<3x2x102400xf32, #tpu.memory_space<hbm>> -> memref<1x1x25600xf32, #tpu.memory_space<hbm>>
        %dma_wait3A_118 = tpu.memref_squeeze %dma_wait3A_117 : memref<1x1x25600xf32, #tpu.memory_space<hbm>> -> memref<25600xf32, #tpu.memory_space<hbm>>
        tpu.wait_dma2 semaphore(%run_scoped3A : memref<!tpu.dma_semaphore, #tpu.memory_space<semaphore_mem>>) src(%arg8 : memref<25600xf32, #tpu.memory_space<vmem>>) dst(%dma_wait3A_118 : memref<25600xf32, #tpu.memory_space<hbm>>)
        tpu.yield
      }) : () -> ()
    } else {
    }
    %ge3A = arith.constant 24 : i32
    %ge3A_3 = arith.cmpi sge, %add3A, %ge3A : i32
    %convert_element_type3A_4 = arith.extui %ge3A_3 : i1 to i32
    %cond3A_5 = arith.constant 0 : i32
    %cond3A_6 = arith.cmpi ne, %convert_element_type3A_4, %cond3A_5 : i32
    scf.if %cond3A_6 {
      %sub3A = arith.constant 24 : i32
      %sub3A_7 = arith.subi %add3A, %sub3A : i32
      "tpu.region"() ({
        %run_scoped3A = tpu.sem_alloc : memref<!tpu.dma_semaphore, #tpu.memory_space<semaphore_mem>>
        tpu.enqueue_dma source(%arg5 : memref<102400xf32, #tpu.memory_space<hbm>>) target(%arg9 : memref<102400xf32, #tpu.memory_space<vmem>>) target_semaphore(%run_scoped3A : memref<!tpu.dma_semaphore, #tpu.memory_space<semaphore_mem>>)
        tpu.wait_dma2 semaphore(%run_scoped3A : memref<!tpu.dma_semaphore, #tpu.memory_space<semaphore_mem>>) src(%arg5 : memref<102400xf32, #tpu.memory_space<hbm>>) dst(%arg9 : memref<102400xf32, #tpu.memory_space<vmem>>)
        tpu.yield
      }) : () -> ()
      %broadcast_in_dim3A = arith.constant 1.000000e+00 : f32
      %broadcast_in_dim3A_8 = vector.broadcast %broadcast_in_dim3A : f32 to vector<16xf32>
      %mul3A_9 = arith.constant 400384 : i32
      %mul3A_10 = arith.muli %sub3A_7, %mul3A_9 : i32
      %dma_start3A = arith.constant 0 : i32
      %dma_start3A_11 = arith.constant 0 : i32
      %dma_start3A_12 = arith.constant 0 : i32
      %dma_start3A_13 = arith.constant 0 : i32
      %dma_start3A_14 = tpu.memref_slice %arg12[%dma_start3A, %dma_start3A_13] : memref<2x512xi32, #tpu.memory_space<vmem>> -> memref<1x512xi32, #tpu.memory_space<vmem>>
      %dma_start3A_15 = tpu.memref_squeeze %dma_start3A_14 : memref<1x512xi32, #tpu.memory_space<vmem>> -> memref<512xi32, #tpu.memory_space<vmem>>
      %dma_start3A_16 = tpu.memref_slice %arg3[%mul3A_10] : memref<3203072xi32, #tpu.memory_space<hbm>> -> memref<512xi32, #tpu.memory_space<hbm>>
      %dma_start3A_17 = tpu.memref_slice %arg11[%dma_start3A_11, %dma_start3A_12] : memref<2x2x!tpu.dma_semaphore, #tpu.memory_space<semaphore_mem>> -> memref<1x1x!tpu.dma_semaphore, #tpu.memory_space<semaphore_mem>>
      %dma_start3A_18 = tpu.memref_squeeze %dma_start3A_17 : memref<1x1x!tpu.dma_semaphore, #tpu.memory_space<semaphore_mem>> -> memref<!tpu.dma_semaphore, #tpu.memory_space<semaphore_mem>>
      %dma_start3A_19 = arith.constant 0 : i32
      %dma_start3A_20 = tpu.memref_slice %arg12[%dma_start3A, %dma_start3A_19] : memref<2x512xi32, #tpu.memory_space<vmem>> -> memref<1x512xi32, #tpu.memory_space<vmem>>
      %dma_start3A_21 = tpu.memref_squeeze %dma_start3A_20 : memref<1x512xi32, #tpu.memory_space<vmem>> -> memref<512xi32, #tpu.memory_space<vmem>>
      %dma_start3A_22 = tpu.memref_slice %arg3[%mul3A_10] : memref<3203072xi32, #tpu.memory_space<hbm>> -> memref<512xi32, #tpu.memory_space<hbm>>
      tpu.enqueue_dma source(%dma_start3A_22 : memref<512xi32, #tpu.memory_space<hbm>>) target(%dma_start3A_21 : memref<512xi32, #tpu.memory_space<vmem>>) target_semaphore(%dma_start3A_18 : memref<!tpu.dma_semaphore, #tpu.memory_space<semaphore_mem>>)
      %dma_start3A_23 = arith.constant 0 : i32
      %dma_start3A_24 = arith.constant 0 : i32
      %dma_start3A_25 = arith.constant 1 : i32
      %dma_start3A_26 = arith.constant 0 : i32
      %dma_start3A_27 = tpu.memref_slice %arg10[%dma_start3A_23, %dma_start3A_26] : memref<2x512xi32, #tpu.memory_space<vmem>> -> memref<1x512xi32, #tpu.memory_space<vmem>>
      %dma_start3A_28 = tpu.memref_squeeze %dma_start3A_27 : memref<1x512xi32, #tpu.memory_space<vmem>> -> memref<512xi32, #tpu.memory_space<vmem>>
      %dma_start3A_29 = tpu.memref_slice %arg4[%mul3A_10] : memref<3203072xi32, #tpu.memory_space<hbm>> -> memref<512xi32, #tpu.memory_space<hbm>>
      %dma_start3A_30 = tpu.memref_slice %arg11[%dma_start3A_24, %dma_start3A_25] : memref<2x2x!tpu.dma_semaphore, #tpu.memory_space<semaphore_mem>> -> memref<1x1x!tpu.dma_semaphore, #tpu.memory_space<semaphore_mem>>
      %dma_start3A_31 = tpu.memref_squeeze %dma_start3A_30 : memref<1x1x!tpu.dma_semaphore, #tpu.memory_space<semaphore_mem>> -> memref<!tpu.dma_semaphore, #tpu.memory_space<semaphore_mem>>
      %dma_start3A_32 = arith.constant 0 : i32
      %dma_start3A_33 = tpu.memref_slice %arg10[%dma_start3A_23, %dma_start3A_32] : memref<2x512xi32, #tpu.memory_space<vmem>> -> memref<1x512xi32, #tpu.memory_space<vmem>>
      %dma_start3A_34 = tpu.memref_squeeze %dma_start3A_33 : memref<1x512xi32, #tpu.memory_space<vmem>> -> memref<512xi32, #tpu.memory_space<vmem>>
      %dma_start3A_35 = tpu.memref_slice %arg4[%mul3A_10] : memref<3203072xi32, #tpu.memory_space<hbm>> -> memref<512xi32, #tpu.memory_space<hbm>>
      tpu.enqueue_dma source(%dma_start3A_35 : memref<512xi32, #tpu.memory_space<hbm>>) target(%dma_start3A_34 : memref<512xi32, #tpu.memory_space<vmem>>) target_semaphore(%dma_start3A_31 : memref<!tpu.dma_semaphore, #tpu.memory_space<semaphore_mem>>)
      %scan3A = arith.constant 0 : i32
      %scan3A_36 = arith.constant 0 : i32
      %scan3A_37 = arith.constant 391 : i32
      %scan3A_38 = arith.addi %scan3A_36, %scan3A_37 : i32
      %scan3A_39 = arith.constant 1 : i32
      scf.for %scan3A_41 = %scan3A_36 to %scan3A_38 step %scan3A_39  : i32 {
        %mul3A_42 = arith.constant 2 : i32
        %mul3A_43 = arith.muli %mul3A_42, %scan3A_41 : i32
        %add3A_44 = arith.constant 1 : i32
        %add3A_45 = arith.addi %mul3A_43, %add3A_44 : i32
        %mul3A_46 = arith.constant 512 : i32
        %mul3A_47 = arith.muli %add3A_45, %mul3A_46 : i32
        %add3A_48 = arith.addi %mul3A_10, %mul3A_47 : i32
        %dma_start3A_49 = arith.constant 1 : i32
        %dma_start3A_50 = arith.constant 1 : i32
        %dma_start3A_51 = arith.constant 0 : i32
        %dma_start3A_52 = arith.constant 0 : i32
        %dma_start3A_53 = tpu.memref_slice %arg12[%dma_start3A_49, %dma_start3A_52] : memref<2x512xi32, #tpu.memory_space<vmem>> -> memref<1x512xi32, #tpu.memory_space<vmem>>
        %dma_start3A_54 = tpu.memref_squeeze %dma_start3A_53 : memref<1x512xi32, #tpu.memory_space<vmem>> -> memref<512xi32, #tpu.memory_space<vmem>>
        %dma_start3A_55 = tpu.memref_slice %arg3[%add3A_48] : memref<3203072xi32, #tpu.memory_space<hbm>> -> memref<512xi32, #tpu.memory_space<hbm>>
        %dma_start3A_56 = tpu.memref_slice %arg11[%dma_start3A_50, %dma_start3A_51] : memref<2x2x!tpu.dma_semaphore, #tpu.memory_space<semaphore_mem>> -> memref<1x1x!tpu.dma_semaphore, #tpu.memory_space<semaphore_mem>>
        %dma_start3A_57 = tpu.memref_squeeze %dma_start3A_56 : memref<1x1x!tpu.dma_semaphore, #tpu.memory_space<semaphore_mem>> -> memref<!tpu.dma_semaphore, #tpu.memory_space<semaphore_mem>>
        %dma_start3A_58 = arith.constant 0 : i32
        %dma_start3A_59 = tpu.memref_slice %arg12[%dma_start3A_49, %dma_start3A_58] : memref<2x512xi32, #tpu.memory_space<vmem>> -> memref<1x512xi32, #tpu.memory_space<vmem>>
        %dma_start3A_60 = tpu.memref_squeeze %dma_start3A_59 : memref<1x512xi32, #tpu.memory_space<vmem>> -> memref<512xi32, #tpu.memory_space<vmem>>
        %dma_start3A_61 = tpu.memref_slice %arg3[%add3A_48] : memref<3203072xi32, #tpu.memory_space<hbm>> -> memref<512xi32, #tpu.memory_space<hbm>>
        tpu.enqueue_dma source(%dma_start3A_61 : memref<512xi32, #tpu.memory_space<hbm>>) target(%dma_start3A_60 : memref<512xi32, #tpu.memory_space<vmem>>) target_semaphore(%dma_start3A_57 : memref<!tpu.dma_semaphore, #tpu.memory_space<semaphore_mem>>)
        %dma_start3A_62 = arith.constant 1 : i32
        %dma_start3A_63 = arith.constant 1 : i32
        %dma_start3A_64 = arith.constant 1 : i32
        %dma_start3A_65 = arith.constant 0 : i32
        %dma_start3A_66 = tpu.memref_slice %arg10[%dma_start3A_62, %dma_start3A_65] : memref<2x512xi32, #tpu.memory_space<vmem>> -> memref<1x512xi32, #tpu.memory_space<vmem>>
        %dma_start3A_67 = tpu.memref_squeeze %dma_start3A_66 : memref<1x512xi32, #tpu.memory_space<vmem>> -> memref<512xi32, #tpu.memory_space<vmem>>
        %dma_start3A_68 = tpu.memref_slice %arg4[%add3A_48] : memref<3203072xi32, #tpu.memory_space<hbm>> -> memref<512xi32, #tpu.memory_space<hbm>>
        %dma_start3A_69 = tpu.memref_slice %arg11[%dma_start3A_63, %dma_start3A_64] : memref<2x2x!tpu.dma_semaphore, #tpu.memory_space<semaphore_mem>> -> memref<1x1x!tpu.dma_semaphore, #tpu.memory_space<semaphore_mem>>
        %dma_start3A_70 = tpu.memref_squeeze %dma_start3A_69 : memref<1x1x!tpu.dma_semaphore, #tpu.memory_space<semaphore_mem>> -> memref<!tpu.dma_semaphore, #tpu.memory_space<semaphore_mem>>
        %dma_start3A_71 = arith.constant 0 : i32
        %dma_start3A_72 = tpu.memref_slice %arg10[%dma_start3A_62, %dma_start3A_71] : memref<2x512xi32, #tpu.memory_space<vmem>> -> memref<1x512xi32, #tpu.memory_space<vmem>>
        %dma_start3A_73 = tpu.memref_squeeze %dma_start3A_72 : memref<1x512xi32, #tpu.memory_space<vmem>> -> memref<512xi32, #tpu.memory_space<vmem>>
        %dma_start3A_74 = tpu.memref_slice %arg4[%add3A_48] : memref<3203072xi32, #tpu.memory_space<hbm>> -> memref<512xi32, #tpu.memory_space<hbm>>
        tpu.enqueue_dma source(%dma_start3A_74 : memref<512xi32, #tpu.memory_space<hbm>>) target(%dma_start3A_73 : memref<512xi32, #tpu.memory_space<vmem>>) target_semaphore(%dma_start3A_70 : memref<!tpu.dma_semaphore, #tpu.memory_space<semaphore_mem>>)
        %dma_wait3A = arith.constant 0 : i32
        %dma_wait3A_75 = arith.constant 0 : i32
        %dma_wait3A_76 = arith.constant 0 : i32
        %dma_wait3A_77 = arith.constant 0 : i32
        %dma_wait3A_78 = tpu.memref_slice %arg12[%dma_wait3A, %dma_wait3A_77] : memref<2x512xi32, #tpu.memory_space<vmem>> -> memref<1x512xi32, #tpu.memory_space<vmem>>
        %dma_wait3A_79 = tpu.memref_squeeze %dma_wait3A_78 : memref<1x512xi32, #tpu.memory_space<vmem>> -> memref<512xi32, #tpu.memory_space<vmem>>
        %dma_wait3A_80 = arith.constant 0 : i32
        %dma_wait3A_81 = tpu.memref_slice %arg3[%dma_wait3A_80] : memref<3203072xi32, #tpu.memory_space<hbm>> -> memref<512xi32, #tpu.memory_space<hbm>>
        %dma_wait3A_82 = tpu.memref_slice %arg11[%dma_wait3A_75, %dma_wait3A_76] : memref<2x2x!tpu.dma_semaphore, #tpu.memory_space<semaphore_mem>> -> memref<1x1x!tpu.dma_semaphore, #tpu.memory_space<semaphore_mem>>
        %dma_wait3A_83 = tpu.memref_squeeze %dma_wait3A_82 : memref<1x1x!tpu.dma_semaphore, #tpu.memory_space<semaphore_mem>> -> memref<!tpu.dma_semaphore, #tpu.memory_space<semaphore_mem>>
        %dma_wait3A_84 = arith.constant 0 : i32
        %dma_wait3A_85 = tpu.memref_slice %arg12[%dma_wait3A, %dma_wait3A_84] : memref<2x512xi32, #tpu.memory_space<vmem>> -> memref<1x512xi32, #tpu.memory_space<vmem>>
        %dma_wait3A_86 = tpu.memref_squeeze %dma_wait3A_85 : memref<1x512xi32, #tpu.memory_space<vmem>> -> memref<512xi32, #tpu.memory_space<vmem>>
        %dma_wait3A_87 = arith.constant 0 : i32
        %dma_wait3A_88 = tpu.memref_slice %arg3[%dma_wait3A_87] : memref<3203072xi32, #tpu.memory_space<hbm>> -> memref<512xi32, #tpu.memory_space<hbm>>
        tpu.wait_dma2 semaphore(%dma_wait3A_83 : memref<!tpu.dma_semaphore, #tpu.memory_space<semaphore_mem>>) src(%dma_wait3A_88 : memref<512xi32, #tpu.memory_space<hbm>>) dst(%dma_wait3A_86 : memref<512xi32, #tpu.memory_space<vmem>>)
        %dma_wait3A_89 = arith.constant 0 : i32
        %dma_wait3A_90 = arith.constant 0 : i32
        %dma_wait3A_91 = arith.constant 1 : i32
        %dma_wait3A_92 = arith.constant 0 : i32
        %dma_wait3A_93 = tpu.memref_slice %arg10[%dma_wait3A_89, %dma_wait3A_92] : memref<2x512xi32, #tpu.memory_space<vmem>> -> memref<1x512xi32, #tpu.memory_space<vmem>>
        %dma_wait3A_94 = tpu.memref_squeeze %dma_wait3A_93 : memref<1x512xi32, #tpu.memory_space<vmem>> -> memref<512xi32, #tpu.memory_space<vmem>>
        %dma_wait3A_95 = arith.constant 0 : i32
        %dma_wait3A_96 = tpu.memref_slice %arg4[%dma_wait3A_95] : memref<3203072xi32, #tpu.memory_space<hbm>> -> memref<512xi32, #tpu.memory_space<hbm>>
        %dma_wait3A_97 = tpu.memref_slice %arg11[%dma_wait3A_90, %dma_wait3A_91] : memref<2x2x!tpu.dma_semaphore, #tpu.memory_space<semaphore_mem>> -> memref<1x1x!tpu.dma_semaphore, #tpu.memory_space<semaphore_mem>>
        %dma_wait3A_98 = tpu.memref_squeeze %dma_wait3A_97 : memref<1x1x!tpu.dma_semaphore, #tpu.memory_space<semaphore_mem>> -> memref<!tpu.dma_semaphore, #tpu.memory_space<semaphore_mem>>
        %dma_wait3A_99 = arith.constant 0 : i32
        %dma_wait3A_100 = tpu.memref_slice %arg10[%dma_wait3A_89, %dma_wait3A_99] : memref<2x512xi32, #tpu.memory_space<vmem>> -> memref<1x512xi32, #tpu.memory_space<vmem>>
        %dma_wait3A_101 = tpu.memref_squeeze %dma_wait3A_100 : memref<1x512xi32, #tpu.memory_space<vmem>> -> memref<512xi32, #tpu.memory_space<vmem>>
        %dma_wait3A_102 = arith.constant 0 : i32
        %dma_wait3A_103 = tpu.memref_slice %arg4[%dma_wait3A_102] : memref<3203072xi32, #tpu.memory_space<hbm>> -> memref<512xi32, #tpu.memory_space<hbm>>
        tpu.wait_dma2 semaphore(%dma_wait3A_98 : memref<!tpu.dma_semaphore, #tpu.memory_space<semaphore_mem>>) src(%dma_wait3A_103 : memref<512xi32, #tpu.memory_space<hbm>>) dst(%dma_wait3A_101 : memref<512xi32, #tpu.memory_space<vmem>>)
        %scan3A_104 = arith.constant 0 : i32
        %scan3A_105 = arith.constant 0 : i32
        %scan3A_106 = arith.constant 4 : i32
        %scan3A_107 = arith.addi %scan3A_105, %scan3A_106 : i32
        %scan3A_108 = arith.constant 1 : i32
        scf.for %scan3A_153 = %scan3A_105 to %scan3A_107 step %scan3A_108  : i32 {
          %mul3A_154 = arith.constant 8 : i32
          %mul3A_155 = arith.muli %scan3A_153, %mul3A_154 : i32
          %add3A_156 = arith.constant 0 : i32
          %add3A_157 = arith.addi %mul3A_155, %add3A_156 : i32
          %mul3A_158 = arith.constant 16 : i32
          %mul3A_159 = arith.muli %add3A_157, %mul3A_158 : i32
          %get3A = arith.constant 0 : i32
          %get3A_160 = arith.index_cast %get3A : i32 to index
          %get3A_161 = arith.index_cast %mul3A_159 : i32 to index
          %get3A_162 = tpu.vector_load %arg12[%get3A_160, %get3A_161] {strides = array<i32>} : memref<2x512xi32, #tpu.memory_space<vmem>>, vector<16xi32>,
          %get3A_163 = arith.constant 0 : i32
          %get3A_164 = arith.index_cast %get3A_163 : i32 to index
          %get3A_165 = arith.index_cast %mul3A_159 : i32 to index
          %get3A_166 = tpu.vector_load %arg10[%get3A_164, %get3A_165] {strides = array<i32>} : memref<2x512xi32, #tpu.memory_space<vmem>>, vector<16xi32>,
          tpu.vector_store_idx %arg9[%get3A_162], %broadcast_in_dim3A_8 {add = true} : memref<102400xf32, #tpu.memory_space<vmem>>[vector<16xi32>], vector<16xf32>,
          tpu.vector_store_idx %arg9[%get3A_166], %broadcast_in_dim3A_8 {add = true} : memref<102400xf32, #tpu.memory_space<vmem>>[vector<16xi32>], vector<16xf32>,
          %mul3A_167 = arith.constant 8 : i32
          %mul3A_168 = arith.muli %scan3A_153, %mul3A_167 : i32
          %add3A_169 = arith.constant 1 : i32
          %add3A_170 = arith.addi %mul3A_168, %add3A_169 : i32
          %mul3A_171 = arith.constant 16 : i32
          %mul3A_172 = arith.muli %add3A_170, %mul3A_171 : i32
          %get3A_173 = arith.constant 0 : i32
          %get3A_174 = arith.index_cast %get3A_173 : i32 to index
          %get3A_175 = arith.index_cast %mul3A_172 : i32 to index
          %get3A_176 = tpu.vector_load %arg12[%get3A_174, %get3A_175] {strides = array<i32>} : memref<2x512xi32, #tpu.memory_space<vmem>>, vector<16xi32>,
          %get3A_177 = arith.constant 0 : i32
          %get3A_178 = arith.index_cast %get3A_177 : i32 to index
          %get3A_179 = arith.index_cast %mul3A_172 : i32 to index
          %get3A_180 = tpu.vector_load %arg10[%get3A_178, %get3A_179] {strides = array<i32>} : memref<2x512xi32, #tpu.memory_space<vmem>>, vector<16xi32>,
          tpu.vector_store_idx %arg9[%get3A_176], %broadcast_in_dim3A_8 {add = true} : memref<102400xf32, #tpu.memory_space<vmem>>[vector<16xi32>], vector<16xf32>,
          tpu.vector_store_idx %arg9[%get3A_180], %broadcast_in_dim3A_8 {add = true} : memref<102400xf32, #tpu.memory_space<vmem>>[vector<16xi32>], vector<16xf32>,
          %mul3A_181 = arith.constant 8 : i32
          %mul3A_182 = arith.muli %scan3A_153, %mul3A_181 : i32
          %add3A_183 = arith.constant 2 : i32
          %add3A_184 = arith.addi %mul3A_182, %add3A_183 : i32
          %mul3A_185 = arith.constant 16 : i32
          %mul3A_186 = arith.muli %add3A_184, %mul3A_185 : i32
          %get3A_187 = arith.constant 0 : i32
          %get3A_188 = arith.index_cast %get3A_187 : i32 to index
          %get3A_189 = arith.index_cast %mul3A_186 : i32 to index
          %get3A_190 = tpu.vector_load %arg12[%get3A_188, %get3A_189] {strides = array<i32>} : memref<2x512xi32, #tpu.memory_space<vmem>>, vector<16xi32>,
          %get3A_191 = arith.constant 0 : i32
          %get3A_192 = arith.index_cast %get3A_191 : i32 to index
          %get3A_193 = arith.index_cast %mul3A_186 : i32 to index
          %get3A_194 = tpu.vector_load %arg10[%get3A_192, %get3A_193] {strides = array<i32>} : memref<2x512xi32, #tpu.memory_space<vmem>>, vector<16xi32>,
          tpu.vector_store_idx %arg9[%get3A_190], %broadcast_in_dim3A_8 {add = true} : memref<102400xf32, #tpu.memory_space<vmem>>[vector<16xi32>], vector<16xf32>,
          tpu.vector_store_idx %arg9[%get3A_194], %broadcast_in_dim3A_8 {add = true} : memref<102400xf32, #tpu.memory_space<vmem>>[vector<16xi32>], vector<16xf32>,
          %mul3A_195 = arith.constant 8 : i32
          %mul3A_196 = arith.muli %scan3A_153, %mul3A_195 : i32
          %add3A_197 = arith.constant 3 : i32
          %add3A_198 = arith.addi %mul3A_196, %add3A_197 : i32
          %mul3A_199 = arith.constant 16 : i32
          %mul3A_200 = arith.muli %add3A_198, %mul3A_199 : i32
          %get3A_201 = arith.constant 0 : i32
          %get3A_202 = arith.index_cast %get3A_201 : i32 to index
          %get3A_203 = arith.index_cast %mul3A_200 : i32 to index
          %get3A_204 = tpu.vector_load %arg12[%get3A_202, %get3A_203] {strides = array<i32>} : memref<2x512xi32, #tpu.memory_space<vmem>>, vector<16xi32>,
          %get3A_205 = arith.constant 0 : i32
          %get3A_206 = arith.index_cast %get3A_205 : i32 to index
          %get3A_207 = arith.index_cast %mul3A_200 : i32 to index
          %get3A_208 = tpu.vector_load %arg10[%get3A_206, %get3A_207] {strides = array<i32>} : memref<2x512xi32, #tpu.memory_space<vmem>>, vector<16xi32>,
          tpu.vector_store_idx %arg9[%get3A_204], %broadcast_in_dim3A_8 {add = true} : memref<102400xf32, #tpu.memory_space<vmem>>[vector<16xi32>], vector<16xf32>,
          tpu.vector_store_idx %arg9[%get3A_208], %broadcast_in_dim3A_8 {add = true} : memref<102400xf32, #tpu.memory_space<vmem>>[vector<16xi32>], vector<16xf32>,
          %mul3A_209 = arith.constant 8 : i32
          %mul3A_210 = arith.muli %scan3A_153, %mul3A_209 : i32
          %add3A_211 = arith.constant 4 : i32
          %add3A_212 = arith.addi %mul3A_210, %add3A_211 : i32
          %mul3A_213 = arith.constant 16 : i32
          %mul3A_214 = arith.muli %add3A_212, %mul3A_213 : i32
          %get3A_215 = arith.constant 0 : i32
          %get3A_216 = arith.index_cast %get3A_215 : i32 to index
          %get3A_217 = arith.index_cast %mul3A_214 : i32 to index
          %get3A_218 = tpu.vector_load %arg12[%get3A_216, %get3A_217] {strides = array<i32>} : memref<2x512xi32, #tpu.memory_space<vmem>>, vector<16xi32>,
          %get3A_219 = arith.constant 0 : i32
          %get3A_220 = arith.index_cast %get3A_219 : i32 to index
          %get3A_221 = arith.index_cast %mul3A_214 : i32 to index
          %get3A_222 = tpu.vector_load %arg10[%get3A_220, %get3A_221] {strides = array<i32>} : memref<2x512xi32, #tpu.memory_space<vmem>>, vector<16xi32>,
          tpu.vector_store_idx %arg9[%get3A_218], %broadcast_in_dim3A_8 {add = true} : memref<102400xf32, #tpu.memory_space<vmem>>[vector<16xi32>], vector<16xf32>,
          tpu.vector_store_idx %arg9[%get3A_222], %broadcast_in_dim3A_8 {add = true} : memref<102400xf32, #tpu.memory_space<vmem>>[vector<16xi32>], vector<16xf32>,
          %mul3A_223 = arith.constant 8 : i32
          %mul3A_224 = arith.muli %scan3A_153, %mul3A_223 : i32
          %add3A_225 = arith.constant 5 : i32
          %add3A_226 = arith.addi %mul3A_224, %add3A_225 : i32
          %mul3A_227 = arith.constant 16 : i32
          %mul3A_228 = arith.muli %add3A_226, %mul3A_227 : i32
          %get3A_229 = arith.constant 0 : i32
          %get3A_230 = arith.index_cast %get3A_229 : i32 to index
          %get3A_231 = arith.index_cast %mul3A_228 : i32 to index
          %get3A_232 = tpu.vector_load %arg12[%get3A_230, %get3A_231] {strides = array<i32>} : memref<2x512xi32, #tpu.memory_space<vmem>>, vector<16xi32>,
          %get3A_233 = arith.constant 0 : i32
          %get3A_234 = arith.index_cast %get3A_233 : i32 to index
          %get3A_235 = arith.index_cast %mul3A_228 : i32 to index
          %get3A_236 = tpu.vector_load %arg10[%get3A_234, %get3A_235] {strides = array<i32>} : memref<2x512xi32, #tpu.memory_space<vmem>>, vector<16xi32>,
          tpu.vector_store_idx %arg9[%get3A_232], %broadcast_in_dim3A_8 {add = true} : memref<102400xf32, #tpu.memory_space<vmem>>[vector<16xi32>], vector<16xf32>,
          tpu.vector_store_idx %arg9[%get3A_236], %broadcast_in_dim3A_8 {add = true} : memref<102400xf32, #tpu.memory_space<vmem>>[vector<16xi32>], vector<16xf32>,
          %mul3A_237 = arith.constant 8 : i32
          %mul3A_238 = arith.muli %scan3A_153, %mul3A_237 : i32
          %add3A_239 = arith.constant 6 : i32
          %add3A_240 = arith.addi %mul3A_238, %add3A_239 : i32
          %mul3A_241 = arith.constant 16 : i32
          %mul3A_242 = arith.muli %add3A_240, %mul3A_241 : i32
          %get3A_243 = arith.constant 0 : i32
          %get3A_244 = arith.index_cast %get3A_243 : i32 to index
          %get3A_245 = arith.index_cast %mul3A_242 : i32 to index
          %get3A_246 = tpu.vector_load %arg12[%get3A_244, %get3A_245] {strides = array<i32>} : memref<2x512xi32, #tpu.memory_space<vmem>>, vector<16xi32>,
          %get3A_247 = arith.constant 0 : i32
          %get3A_248 = arith.index_cast %get3A_247 : i32 to index
          %get3A_249 = arith.index_cast %mul3A_242 : i32 to index
          %get3A_250 = tpu.vector_load %arg10[%get3A_248, %get3A_249] {strides = array<i32>} : memref<2x512xi32, #tpu.memory_space<vmem>>, vector<16xi32>,
          tpu.vector_store_idx %arg9[%get3A_246], %broadcast_in_dim3A_8 {add = true} : memref<102400xf32, #tpu.memory_space<vmem>>[vector<16xi32>], vector<16xf32>,
          tpu.vector_store_idx %arg9[%get3A_250], %broadcast_in_dim3A_8 {add = true} : memref<102400xf32, #tpu.memory_space<vmem>>[vector<16xi32>], vector<16xf32>,
          %mul3A_251 = arith.constant 8 : i32
          %mul3A_252 = arith.muli %scan3A_153, %mul3A_251 : i32
          %add3A_253 = arith.constant 7 : i32
          %add3A_254 = arith.addi %mul3A_252, %add3A_253 : i32
          %mul3A_255 = arith.constant 16 : i32
          %mul3A_256 = arith.muli %add3A_254, %mul3A_255 : i32
          %get3A_257 = arith.constant 0 : i32
          %get3A_258 = arith.index_cast %get3A_257 : i32 to index
          %get3A_259 = arith.index_cast %mul3A_256 : i32 to index
          %get3A_260 = tpu.vector_load %arg12[%get3A_258, %get3A_259] {strides = array<i32>} : memref<2x512xi32, #tpu.memory_space<vmem>>, vector<16xi32>,
          %get3A_261 = arith.constant 0 : i32
          %get3A_262 = arith.index_cast %get3A_261 : i32 to index
          %get3A_263 = arith.index_cast %mul3A_256 : i32 to index
          %get3A_264 = tpu.vector_load %arg10[%get3A_262, %get3A_263] {strides = array<i32>} : memref<2x512xi32, #tpu.memory_space<vmem>>, vector<16xi32>,
          tpu.vector_store_idx %arg9[%get3A_260], %broadcast_in_dim3A_8 {add = true} : memref<102400xf32, #tpu.memory_space<vmem>>[vector<16xi32>], vector<16xf32>,
          tpu.vector_store_idx %arg9[%get3A_264], %broadcast_in_dim3A_8 {add = true} : memref<102400xf32, #tpu.memory_space<vmem>>[vector<16xi32>], vector<16xf32>,
        }
        %scan3A_109 = arith.constant 4 : i32
        %add3A_110 = arith.constant 2 : i32
        %add3A_111 = arith.addi %mul3A_43, %add3A_110 : i32
        %lt3A_112 = arith.constant 782 : i32
        %lt3A_113 = arith.cmpi slt, %add3A_111, %lt3A_112 : i32
        %convert_element_type3A_114 = arith.extui %lt3A_113 : i1 to i32
        %cond3A_115 = arith.constant 0 : i32
        %cond3A_116 = arith.cmpi ne, %convert_element_type3A_114, %cond3A_115 : i32
        scf.if %cond3A_116 {
          %add3A_153 = arith.constant 2 : i32
          %add3A_154 = arith.addi %mul3A_43, %add3A_153 : i32
          %mul3A_155 = arith.constant 512 : i32
          %mul3A_156 = arith.muli %add3A_154, %mul3A_155 : i32
          %add3A_157 = arith.addi %mul3A_10, %mul3A_156 : i32
          %dma_start3A_158 = arith.constant 0 : i32
          %dma_start3A_159 = arith.constant 0 : i32
          %dma_start3A_160 = arith.constant 0 : i32
          %dma_start3A_161 = arith.constant 0 : i32
          %dma_start3A_162 = tpu.memref_slice %arg12[%dma_start3A_158, %dma_start3A_161] : memref<2x512xi32, #tpu.memory_space<vmem>> -> memref<1x512xi32, #tpu.memory_space<vmem>>
          %dma_start3A_163 = tpu.memref_squeeze %dma_start3A_162 : memref<1x512xi32, #tpu.memory_space<vmem>> -> memref<512xi32, #tpu.memory_space<vmem>>
          %dma_start3A_164 = tpu.memref_slice %arg3[%add3A_157] : memref<3203072xi32, #tpu.memory_space<hbm>> -> memref<512xi32, #tpu.memory_space<hbm>>
          %dma_start3A_165 = tpu.memref_slice %arg11[%dma_start3A_159, %dma_start3A_160] : memref<2x2x!tpu.dma_semaphore, #tpu.memory_space<semaphore_mem>> -> memref<1x1x!tpu.dma_semaphore, #tpu.memory_space<semaphore_mem>>
          %dma_start3A_166 = tpu.memref_squeeze %dma_start3A_165 : memref<1x1x!tpu.dma_semaphore, #tpu.memory_space<semaphore_mem>> -> memref<!tpu.dma_semaphore, #tpu.memory_space<semaphore_mem>>
          %dma_start3A_167 = arith.constant 0 : i32
          %dma_start3A_168 = tpu.memref_slice %arg12[%dma_start3A_158, %dma_start3A_167] : memref<2x512xi32, #tpu.memory_space<vmem>> -> memref<1x512xi32, #tpu.memory_space<vmem>>
          %dma_start3A_169 = tpu.memref_squeeze %dma_start3A_168 : memref<1x512xi32, #tpu.memory_space<vmem>> -> memref<512xi32, #tpu.memory_space<vmem>>
          %dma_start3A_170 = tpu.memref_slice %arg3[%add3A_157] : memref<3203072xi32, #tpu.memory_space<hbm>> -> memref<512xi32, #tpu.memory_space<hbm>>
          tpu.enqueue_dma source(%dma_start3A_170 : memref<512xi32, #tpu.memory_space<hbm>>) target(%dma_start3A_169 : memref<512xi32, #tpu.memory_space<vmem>>) target_semaphore(%dma_start3A_166 : memref<!tpu.dma_semaphore, #tpu.memory_space<semaphore_mem>>)
          %dma_start3A_171 = arith.constant 0 : i32
          %dma_start3A_172 = arith.constant 0 : i32
          %dma_start3A_173 = arith.constant 1 : i32
          %dma_start3A_174 = arith.constant 0 : i32
          %dma_start3A_175 = tpu.memref_slice %arg10[%dma_start3A_171, %dma_start3A_174] : memref<2x512xi32, #tpu.memory_space<vmem>> -> memref<1x512xi32, #tpu.memory_space<vmem>>
          %dma_start3A_176 = tpu.memref_squeeze %dma_start3A_175 : memref<1x512xi32, #tpu.memory_space<vmem>> -> memref<512xi32, #tpu.memory_space<vmem>>
          %dma_start3A_177 = tpu.memref_slice %arg4[%add3A_157] : memref<3203072xi32, #tpu.memory_space<hbm>> -> memref<512xi32, #tpu.memory_space<hbm>>
          %dma_start3A_178 = tpu.memref_slice %arg11[%dma_start3A_172, %dma_start3A_173] : memref<2x2x!tpu.dma_semaphore, #tpu.memory_space<semaphore_mem>> -> memref<1x1x!tpu.dma_semaphore, #tpu.memory_space<semaphore_mem>>
          %dma_start3A_179 = tpu.memref_squeeze %dma_start3A_178 : memref<1x1x!tpu.dma_semaphore, #tpu.memory_space<semaphore_mem>> -> memref<!tpu.dma_semaphore, #tpu.memory_space<semaphore_mem>>
          %dma_start3A_180 = arith.constant 0 : i32
          %dma_start3A_181 = tpu.memref_slice %arg10[%dma_start3A_171, %dma_start3A_180] : memref<2x512xi32, #tpu.memory_space<vmem>> -> memref<1x512xi32, #tpu.memory_space<vmem>>
          %dma_start3A_182 = tpu.memref_squeeze %dma_start3A_181 : memref<1x512xi32, #tpu.memory_space<vmem>> -> memref<512xi32, #tpu.memory_space<vmem>>
          %dma_start3A_183 = tpu.memref_slice %arg4[%add3A_157] : memref<3203072xi32, #tpu.memory_space<hbm>> -> memref<512xi32, #tpu.memory_space<hbm>>
          tpu.enqueue_dma source(%dma_start3A_183 : memref<512xi32, #tpu.memory_space<hbm>>) target(%dma_start3A_182 : memref<512xi32, #tpu.memory_space<vmem>>) target_semaphore(%dma_start3A_179 : memref<!tpu.dma_semaphore, #tpu.memory_space<semaphore_mem>>)
        } else {
        }
        %dma_wait3A_117 = arith.constant 1 : i32
        %dma_wait3A_118 = arith.constant 1 : i32
        %dma_wait3A_119 = arith.constant 0 : i32
        %dma_wait3A_120 = arith.constant 0 : i32
        %dma_wait3A_121 = tpu.memref_slice %arg12[%dma_wait3A_117, %dma_wait3A_120] : memref<2x512xi32, #tpu.memory_space<vmem>> -> memref<1x512xi32, #tpu.memory_space<vmem>>
        %dma_wait3A_122 = tpu.memref_squeeze %dma_wait3A_121 : memref<1x512xi32, #tpu.memory_space<vmem>> -> memref<512xi32, #tpu.memory_space<vmem>>
        %dma_wait3A_123 = arith.constant 0 : i32
        %dma_wait3A_124 = tpu.memref_slice %arg3[%dma_wait3A_123] : memref<3203072xi32, #tpu.memory_space<hbm>> -> memref<512xi32, #tpu.memory_space<hbm>>
        %dma_wait3A_125 = tpu.memref_slice %arg11[%dma_wait3A_118, %dma_wait3A_119] : memref<2x2x!tpu.dma_semaphore, #tpu.memory_space<semaphore_mem>> -> memref<1x1x!tpu.dma_semaphore, #tpu.memory_space<semaphore_mem>>
        %dma_wait3A_126 = tpu.memref_squeeze %dma_wait3A_125 : memref<1x1x!tpu.dma_semaphore, #tpu.memory_space<semaphore_mem>> -> memref<!tpu.dma_semaphore, #tpu.memory_space<semaphore_mem>>
        %dma_wait3A_127 = arith.constant 0 : i32
        %dma_wait3A_128 = tpu.memref_slice %arg12[%dma_wait3A_117, %dma_wait3A_127] : memref<2x512xi32, #tpu.memory_space<vmem>> -> memref<1x512xi32, #tpu.memory_space<vmem>>
        %dma_wait3A_129 = tpu.memref_squeeze %dma_wait3A_128 : memref<1x512xi32, #tpu.memory_space<vmem>> -> memref<512xi32, #tpu.memory_space<vmem>>
        %dma_wait3A_130 = arith.constant 0 : i32
        %dma_wait3A_131 = tpu.memref_slice %arg3[%dma_wait3A_130] : memref<3203072xi32, #tpu.memory_space<hbm>> -> memref<512xi32, #tpu.memory_space<hbm>>
        tpu.wait_dma2 semaphore(%dma_wait3A_126 : memref<!tpu.dma_semaphore, #tpu.memory_space<semaphore_mem>>) src(%dma_wait3A_131 : memref<512xi32, #tpu.memory_space<hbm>>) dst(%dma_wait3A_129 : memref<512xi32, #tpu.memory_space<vmem>>)
        %dma_wait3A_132 = arith.constant 1 : i32
        %dma_wait3A_133 = arith.constant 1 : i32
        %dma_wait3A_134 = arith.constant 1 : i32
        %dma_wait3A_135 = arith.constant 0 : i32
        %dma_wait3A_136 = tpu.memref_slice %arg10[%dma_wait3A_132, %dma_wait3A_135] : memref<2x512xi32, #tpu.memory_space<vmem>> -> memref<1x512xi32, #tpu.memory_space<vmem>>
        %dma_wait3A_137 = tpu.memref_squeeze %dma_wait3A_136 : memref<1x512xi32, #tpu.memory_space<vmem>> -> memref<512xi32, #tpu.memory_space<vmem>>
        %dma_wait3A_138 = arith.constant 0 : i32
        %dma_wait3A_139 = tpu.memref_slice %arg4[%dma_wait3A_138] : memref<3203072xi32, #tpu.memory_space<hbm>> -> memref<512xi32, #tpu.memory_space<hbm>>
        %dma_wait3A_140 = tpu.memref_slice %arg11[%dma_wait3A_133, %dma_wait3A_134] : memref<2x2x!tpu.dma_semaphore, #tpu.memory_space<semaphore_mem>> -> memref<1x1x!tpu.dma_semaphore, #tpu.memory_space<semaphore_mem>>
        %dma_wait3A_141 = tpu.memref_squeeze %dma_wait3A_140 : memref<1x1x!tpu.dma_semaphore, #tpu.memory_space<semaphore_mem>> -> memref<!tpu.dma_semaphore, #tpu.memory_space<semaphore_mem>>
        %dma_wait3A_142 = arith.constant 0 : i32
        %dma_wait3A_143 = tpu.memref_slice %arg10[%dma_wait3A_132, %dma_wait3A_142] : memref<2x512xi32, #tpu.memory_space<vmem>> -> memref<1x512xi32, #tpu.memory_space<vmem>>
        %dma_wait3A_144 = tpu.memref_squeeze %dma_wait3A_143 : memref<1x512xi32, #tpu.memory_space<vmem>> -> memref<512xi32, #tpu.memory_space<vmem>>
        %dma_wait3A_145 = arith.constant 0 : i32
        %dma_wait3A_146 = tpu.memref_slice %arg4[%dma_wait3A_145] : memref<3203072xi32, #tpu.memory_space<hbm>> -> memref<512xi32, #tpu.memory_space<hbm>>
        tpu.wait_dma2 semaphore(%dma_wait3A_141 : memref<!tpu.dma_semaphore, #tpu.memory_space<semaphore_mem>>) src(%dma_wait3A_146 : memref<512xi32, #tpu.memory_space<hbm>>) dst(%dma_wait3A_144 : memref<512xi32, #tpu.memory_space<vmem>>)
        %scan3A_147 = arith.constant 0 : i32
        %scan3A_148 = arith.constant 0 : i32
        %scan3A_149 = arith.constant 4 : i32
        %scan3A_150 = arith.addi %scan3A_148, %scan3A_149 : i32
        %scan3A_151 = arith.constant 1 : i32
        scf.for %scan3A_153 = %scan3A_148 to %scan3A_150 step %scan3A_151  : i32 {
          %mul3A_154 = arith.constant 8 : i32
          %mul3A_155 = arith.muli %scan3A_153, %mul3A_154 : i32
          %add3A_156 = arith.constant 0 : i32
          %add3A_157 = arith.addi %mul3A_155, %add3A_156 : i32
          %mul3A_158 = arith.constant 16 : i32
          %mul3A_159 = arith.muli %add3A_157, %mul3A_158 : i32
          %get3A = arith.constant 1 : i32
          %get3A_160 = arith.index_cast %get3A : i32 to index
          %get3A_161 = arith.index_cast %mul3A_159 : i32 to index
          %get3A_162 = tpu.vector_load %arg12[%get3A_160, %get3A_161] {strides = array<i32>} : memref<2x512xi32, #tpu.memory_space<vmem>>, vector<16xi32>,
          %get3A_163 = arith.constant 1 : i32
          %get3A_164 = arith.index_cast %get3A_163 : i32 to index
          %get3A_165 = arith.index_cast %mul3A_159 : i32 to index
          %get3A_166 = tpu.vector_load %arg10[%get3A_164, %get3A_165] {strides = array<i32>} : memref<2x512xi32, #tpu.memory_space<vmem>>, vector<16xi32>,
          tpu.vector_store_idx %arg9[%get3A_162], %broadcast_in_dim3A_8 {add = true} : memref<102400xf32, #tpu.memory_space<vmem>>[vector<16xi32>], vector<16xf32>,
          tpu.vector_store_idx %arg9[%get3A_166], %broadcast_in_dim3A_8 {add = true} : memref<102400xf32, #tpu.memory_space<vmem>>[vector<16xi32>], vector<16xf32>,
          %mul3A_167 = arith.constant 8 : i32
          %mul3A_168 = arith.muli %scan3A_153, %mul3A_167 : i32
          %add3A_169 = arith.constant 1 : i32
          %add3A_170 = arith.addi %mul3A_168, %add3A_169 : i32
          %mul3A_171 = arith.constant 16 : i32
          %mul3A_172 = arith.muli %add3A_170, %mul3A_171 : i32
          %get3A_173 = arith.constant 1 : i32
          %get3A_174 = arith.index_cast %get3A_173 : i32 to index
          %get3A_175 = arith.index_cast %mul3A_172 : i32 to index
          %get3A_176 = tpu.vector_load %arg12[%get3A_174, %get3A_175] {strides = array<i32>} : memref<2x512xi32, #tpu.memory_space<vmem>>, vector<16xi32>,
          %get3A_177 = arith.constant 1 : i32
          %get3A_178 = arith.index_cast %get3A_177 : i32 to index
          %get3A_179 = arith.index_cast %mul3A_172 : i32 to index
          %get3A_180 = tpu.vector_load %arg10[%get3A_178, %get3A_179] {strides = array<i32>} : memref<2x512xi32, #tpu.memory_space<vmem>>, vector<16xi32>,
          tpu.vector_store_idx %arg9[%get3A_176], %broadcast_in_dim3A_8 {add = true} : memref<102400xf32, #tpu.memory_space<vmem>>[vector<16xi32>], vector<16xf32>,
          tpu.vector_store_idx %arg9[%get3A_180], %broadcast_in_dim3A_8 {add = true} : memref<102400xf32, #tpu.memory_space<vmem>>[vector<16xi32>], vector<16xf32>,
          %mul3A_181 = arith.constant 8 : i32
          %mul3A_182 = arith.muli %scan3A_153, %mul3A_181 : i32
          %add3A_183 = arith.constant 2 : i32
          %add3A_184 = arith.addi %mul3A_182, %add3A_183 : i32
          %mul3A_185 = arith.constant 16 : i32
          %mul3A_186 = arith.muli %add3A_184, %mul3A_185 : i32
          %get3A_187 = arith.constant 1 : i32
          %get3A_188 = arith.index_cast %get3A_187 : i32 to index
          %get3A_189 = arith.index_cast %mul3A_186 : i32 to index
          %get3A_190 = tpu.vector_load %arg12[%get3A_188, %get3A_189] {strides = array<i32>} : memref<2x512xi32, #tpu.memory_space<vmem>>, vector<16xi32>,
          %get3A_191 = arith.constant 1 : i32
          %get3A_192 = arith.index_cast %get3A_191 : i32 to index
          %get3A_193 = arith.index_cast %mul3A_186 : i32 to index
          %get3A_194 = tpu.vector_load %arg10[%get3A_192, %get3A_193] {strides = array<i32>} : memref<2x512xi32, #tpu.memory_space<vmem>>, vector<16xi32>,
          tpu.vector_store_idx %arg9[%get3A_190], %broadcast_in_dim3A_8 {add = true} : memref<102400xf32, #tpu.memory_space<vmem>>[vector<16xi32>], vector<16xf32>,
          tpu.vector_store_idx %arg9[%get3A_194], %broadcast_in_dim3A_8 {add = true} : memref<102400xf32, #tpu.memory_space<vmem>>[vector<16xi32>], vector<16xf32>,
          %mul3A_195 = arith.constant 8 : i32
          %mul3A_196 = arith.muli %scan3A_153, %mul3A_195 : i32
          %add3A_197 = arith.constant 3 : i32
          %add3A_198 = arith.addi %mul3A_196, %add3A_197 : i32
          %mul3A_199 = arith.constant 16 : i32
          %mul3A_200 = arith.muli %add3A_198, %mul3A_199 : i32
          %get3A_201 = arith.constant 1 : i32
          %get3A_202 = arith.index_cast %get3A_201 : i32 to index
          %get3A_203 = arith.index_cast %mul3A_200 : i32 to index
          %get3A_204 = tpu.vector_load %arg12[%get3A_202, %get3A_203] {strides = array<i32>} : memref<2x512xi32, #tpu.memory_space<vmem>>, vector<16xi32>,
          %get3A_205 = arith.constant 1 : i32
          %get3A_206 = arith.index_cast %get3A_205 : i32 to index
          %get3A_207 = arith.index_cast %mul3A_200 : i32 to index
          %get3A_208 = tpu.vector_load %arg10[%get3A_206, %get3A_207] {strides = array<i32>} : memref<2x512xi32, #tpu.memory_space<vmem>>, vector<16xi32>,
          tpu.vector_store_idx %arg9[%get3A_204], %broadcast_in_dim3A_8 {add = true} : memref<102400xf32, #tpu.memory_space<vmem>>[vector<16xi32>], vector<16xf32>,
          tpu.vector_store_idx %arg9[%get3A_208], %broadcast_in_dim3A_8 {add = true} : memref<102400xf32, #tpu.memory_space<vmem>>[vector<16xi32>], vector<16xf32>,
          %mul3A_209 = arith.constant 8 : i32
          %mul3A_210 = arith.muli %scan3A_153, %mul3A_209 : i32
          %add3A_211 = arith.constant 4 : i32
          %add3A_212 = arith.addi %mul3A_210, %add3A_211 : i32
          %mul3A_213 = arith.constant 16 : i32
          %mul3A_214 = arith.muli %add3A_212, %mul3A_213 : i32
          %get3A_215 = arith.constant 1 : i32
          %get3A_216 = arith.index_cast %get3A_215 : i32 to index
          %get3A_217 = arith.index_cast %mul3A_214 : i32 to index
          %get3A_218 = tpu.vector_load %arg12[%get3A_216, %get3A_217] {strides = array<i32>} : memref<2x512xi32, #tpu.memory_space<vmem>>, vector<16xi32>,
          %get3A_219 = arith.constant 1 : i32
          %get3A_220 = arith.index_cast %get3A_219 : i32 to index
          %get3A_221 = arith.index_cast %mul3A_214 : i32 to index
          %get3A_222 = tpu.vector_load %arg10[%get3A_220, %get3A_221] {strides = array<i32>} : memref<2x512xi32, #tpu.memory_space<vmem>>, vector<16xi32>,
          tpu.vector_store_idx %arg9[%get3A_218], %broadcast_in_dim3A_8 {add = true} : memref<102400xf32, #tpu.memory_space<vmem>>[vector<16xi32>], vector<16xf32>,
          tpu.vector_store_idx %arg9[%get3A_222], %broadcast_in_dim3A_8 {add = true} : memref<102400xf32, #tpu.memory_space<vmem>>[vector<16xi32>], vector<16xf32>,
          %mul3A_223 = arith.constant 8 : i32
          %mul3A_224 = arith.muli %scan3A_153, %mul3A_223 : i32
          %add3A_225 = arith.constant 5 : i32
          %add3A_226 = arith.addi %mul3A_224, %add3A_225 : i32
          %mul3A_227 = arith.constant 16 : i32
          %mul3A_228 = arith.muli %add3A_226, %mul3A_227 : i32
          %get3A_229 = arith.constant 1 : i32
          %get3A_230 = arith.index_cast %get3A_229 : i32 to index
          %get3A_231 = arith.index_cast %mul3A_228 : i32 to index
          %get3A_232 = tpu.vector_load %arg12[%get3A_230, %get3A_231] {strides = array<i32>} : memref<2x512xi32, #tpu.memory_space<vmem>>, vector<16xi32>,
          %get3A_233 = arith.constant 1 : i32
          %get3A_234 = arith.index_cast %get3A_233 : i32 to index
          %get3A_235 = arith.index_cast %mul3A_228 : i32 to index
          %get3A_236 = tpu.vector_load %arg10[%get3A_234, %get3A_235] {strides = array<i32>} : memref<2x512xi32, #tpu.memory_space<vmem>>, vector<16xi32>,
          tpu.vector_store_idx %arg9[%get3A_232], %broadcast_in_dim3A_8 {add = true} : memref<102400xf32, #tpu.memory_space<vmem>>[vector<16xi32>], vector<16xf32>,
          tpu.vector_store_idx %arg9[%get3A_236], %broadcast_in_dim3A_8 {add = true} : memref<102400xf32, #tpu.memory_space<vmem>>[vector<16xi32>], vector<16xf32>,
          %mul3A_237 = arith.constant 8 : i32
          %mul3A_238 = arith.muli %scan3A_153, %mul3A_237 : i32
          %add3A_239 = arith.constant 6 : i32
          %add3A_240 = arith.addi %mul3A_238, %add3A_239 : i32
          %mul3A_241 = arith.constant 16 : i32
          %mul3A_242 = arith.muli %add3A_240, %mul3A_241 : i32
          %get3A_243 = arith.constant 1 : i32
          %get3A_244 = arith.index_cast %get3A_243 : i32 to index
          %get3A_245 = arith.index_cast %mul3A_242 : i32 to index
          %get3A_246 = tpu.vector_load %arg12[%get3A_244, %get3A_245] {strides = array<i32>} : memref<2x512xi32, #tpu.memory_space<vmem>>, vector<16xi32>,
          %get3A_247 = arith.constant 1 : i32
          %get3A_248 = arith.index_cast %get3A_247 : i32 to index
          %get3A_249 = arith.index_cast %mul3A_242 : i32 to index
          %get3A_250 = tpu.vector_load %arg10[%get3A_248, %get3A_249] {strides = array<i32>} : memref<2x512xi32, #tpu.memory_space<vmem>>, vector<16xi32>,
          tpu.vector_store_idx %arg9[%get3A_246], %broadcast_in_dim3A_8 {add = true} : memref<102400xf32, #tpu.memory_space<vmem>>[vector<16xi32>], vector<16xf32>,
          tpu.vector_store_idx %arg9[%get3A_250], %broadcast_in_dim3A_8 {add = true} : memref<102400xf32, #tpu.memory_space<vmem>>[vector<16xi32>], vector<16xf32>,
          %mul3A_251 = arith.constant 8 : i32
          %mul3A_252 = arith.muli %scan3A_153, %mul3A_251 : i32
          %add3A_253 = arith.constant 7 : i32
          %add3A_254 = arith.addi %mul3A_252, %add3A_253 : i32
          %mul3A_255 = arith.constant 16 : i32
          %mul3A_256 = arith.muli %add3A_254, %mul3A_255 : i32
          %get3A_257 = arith.constant 1 : i32
          %get3A_258 = arith.index_cast %get3A_257 : i32 to index
          %get3A_259 = arith.index_cast %mul3A_256 : i32 to index
          %get3A_260 = tpu.vector_load %arg12[%get3A_258, %get3A_259] {strides = array<i32>} : memref<2x512xi32, #tpu.memory_space<vmem>>, vector<16xi32>,
          %get3A_261 = arith.constant 1 : i32
          %get3A_262 = arith.index_cast %get3A_261 : i32 to index
          %get3A_263 = arith.index_cast %mul3A_256 : i32 to index
          %get3A_264 = tpu.vector_load %arg10[%get3A_262, %get3A_263] {strides = array<i32>} : memref<2x512xi32, #tpu.memory_space<vmem>>, vector<16xi32>,
          tpu.vector_store_idx %arg9[%get3A_260], %broadcast_in_dim3A_8 {add = true} : memref<102400xf32, #tpu.memory_space<vmem>>[vector<16xi32>], vector<16xf32>,
          tpu.vector_store_idx %arg9[%get3A_264], %broadcast_in_dim3A_8 {add = true} : memref<102400xf32, #tpu.memory_space<vmem>>[vector<16xi32>], vector<16xf32>,
        }
        %scan3A_152 = arith.constant 4 : i32
      }
      %scan3A_40 = arith.constant 391 : i32
      "tpu.region"() ({
        %run_scoped3A = tpu.sem_alloc : memref<!tpu.dma_semaphore, #tpu.memory_space<semaphore_mem>>
        %dma_start3A_41 = arith.constant 0 : i32
        %dma_start3A_42 = tpu.memref_slice %arg7[%sub3A_7, %dma_start3A_41] : memref<8x102400xf32, #tpu.memory_space<hbm>> -> memref<1x102400xf32, #tpu.memory_space<hbm>>
        %dma_start3A_43 = tpu.memref_squeeze %dma_start3A_42 : memref<1x102400xf32, #tpu.memory_space<hbm>> -> memref<102400xf32, #tpu.memory_space<hbm>>
        %dma_start3A_44 = arith.constant 0 : i32
        %dma_start3A_45 = tpu.memref_slice %arg7[%sub3A_7, %dma_start3A_44] : memref<8x102400xf32, #tpu.memory_space<hbm>> -> memref<1x102400xf32, #tpu.memory_space<hbm>>
        %dma_start3A_46 = tpu.memref_squeeze %dma_start3A_45 : memref<1x102400xf32, #tpu.memory_space<hbm>> -> memref<102400xf32, #tpu.memory_space<hbm>>
        tpu.enqueue_dma source(%arg9 : memref<102400xf32, #tpu.memory_space<vmem>>) target(%dma_start3A_46 : memref<102400xf32, #tpu.memory_space<hbm>>) target_semaphore(%run_scoped3A : memref<!tpu.dma_semaphore, #tpu.memory_space<semaphore_mem>>)
        %dma_wait3A = arith.constant 0 : i32
        %dma_wait3A_47 = tpu.memref_slice %arg7[%sub3A_7, %dma_wait3A] : memref<8x102400xf32, #tpu.memory_space<hbm>> -> memref<1x102400xf32, #tpu.memory_space<hbm>>
        %dma_wait3A_48 = tpu.memref_squeeze %dma_wait3A_47 : memref<1x102400xf32, #tpu.memory_space<hbm>> -> memref<102400xf32, #tpu.memory_space<hbm>>
        %dma_wait3A_49 = arith.constant 0 : i32
        %dma_wait3A_50 = tpu.memref_slice %arg7[%sub3A_7, %dma_wait3A_49] : memref<8x102400xf32, #tpu.memory_space<hbm>> -> memref<1x102400xf32, #tpu.memory_space<hbm>>
        %dma_wait3A_51 = tpu.memref_squeeze %dma_wait3A_50 : memref<1x102400xf32, #tpu.memory_space<hbm>> -> memref<102400xf32, #tpu.memory_space<hbm>>
        tpu.wait_dma2 semaphore(%run_scoped3A : memref<!tpu.dma_semaphore, #tpu.memory_space<semaphore_mem>>) src(%arg9 : memref<102400xf32, #tpu.memory_space<vmem>>) dst(%dma_wait3A_51 : memref<102400xf32, #tpu.memory_space<hbm>>)
        tpu.yield
      }) : () -> ()
    } else {
    }
    return
  }
}

module attributes {stable_mosaic.version = 14 : i64} {
  func.func @body(%arg0: i32, %arg1: i32, %arg2: memref<3x2x1024xf32, #tpu.memory_space<vmem>>, %arg3: memref<8x1024xf32, #tpu.memory_space<vmem>>, %arg4: memref<3x1024xf32, #tpu.memory_space<vmem>>, %arg5: memref<9x1024xf32, #tpu.memory_space<vmem>>, %arg6: memref<3x128xf32, #tpu.memory_space<vmem>>, %arg7: memref<1x128xf32, #tpu.memory_space<vmem>>, %arg8: memref<1024x128xf32, #tpu.memory_space<vmem>>, %arg9: memref<1xf32, #tpu.memory_space<smem>>) attributes {dimension_semantics = [#tpu.dimension_semantics<arbitrary>, #tpu.dimension_semantics<arbitrary>], iteration_bounds = array<i64: 2, 98>, scalar_prefetch = 0 : i64, scratch_operands = 1 : i64, tpu.core_type = #tpu.core_type<tc>, window_params = [{transform_indices = @transform_0, window_bounds = array<i64: 3, 2, 1024>}, {transform_indices = @transform_1, window_bounds = array<i64: 8, 1024>}, {transform_indices = @transform_2, window_bounds = array<i64: 3, 1024>}, {transform_indices = @transform_3, window_bounds = array<i64: 9, 1024>}, {pipeline_mode = #tpu.pipeline_mode<synchronous>, transform_indices = @transform_4, window_bounds = array<i64: 3, 128>}, {pipeline_mode = #tpu.pipeline_mode<synchronous>, transform_indices = @transform_5, window_bounds = array<i64: 1, 128>}, {transform_indices = @transform_6, window_bounds = array<i64: 1024, 128>}]} {
    %eq3A = arith.constant 0 : i32
    %eq3A_0 = arith.cmpi eq, %arg0, %eq3A : i32
    %eq3A_1 = arith.constant 0 : i32
    %eq3A_2 = arith.cmpi eq, %arg1, %eq3A_1 : i32
    %and3A = arith.andi %eq3A_0, %eq3A_2 : i1
    %convert_element_type3A = arith.extui %and3A : i1 to i32
    %cond3A = arith.constant 0 : i32
    %cond3A_3 = arith.cmpi ne, %convert_element_type3A, %cond3A : i32
    scf.if %cond3A_3 {
      %swap3A = arith.constant 0.000000e+00 : f32
      %swap3A_14 = arith.constant 0 : index
      %swap3A_15 = memref.load %arg9[%swap3A_14] : memref<1xf32, #tpu.memory_space<smem>>
      memref.store %swap3A, %arg9[%swap3A_14] : memref<1xf32, #tpu.memory_space<smem>>
    } else {
    }
    %eq3A_4 = arith.constant 0 : i32
    %eq3A_5 = arith.cmpi eq, %arg0, %eq3A_4 : i32
    %convert_element_type3A_6 = arith.extui %eq3A_5 : i1 to i32
    %cond3A_7 = arith.constant 0 : i32
    %cond3A_8 = arith.cmpi ne, %convert_element_type3A_6, %cond3A_7 : i32
    scf.if %cond3A_8 {
      %get3A = arith.constant 0 : index
      %get3A_14 = arith.constant 0 : index
      %get3A_15 = vector.load %arg3[%get3A, %get3A_14] : memref<8x1024xf32, #tpu.memory_space<vmem>>, vector<8x1024xf32>
      %reduce_sum3A = arith.constant dense<0.000000e+00> : vector<1024xf32>
      %reduce_sum3A_16 = vector.multi_reduction <add>, %get3A_15, %reduce_sum3A [0] : vector<8x1024xf32> to vector<1024xf32>
      %mul3A = arith.constant 1024 : i32
      %mul3A_17 = arith.muli %arg1, %mul3A : i32
      %iota3A = tpu.iota {dimensions = array<i32: 1>} : vector<1x1024xi32>
      %iota3A_18 = vector.shape_cast %iota3A : vector<1x1024xi32> to vector<1024xi32>
      %add3A = vector.broadcast %mul3A_17 : i32 to vector<1024xi32>
      %add3A_19 = arith.addi %add3A, %iota3A_18 : vector<1024xi32>
      %lt3A = arith.constant 100000 : i32
      %lt3A_20 = vector.broadcast %lt3A : i32 to vector<1024xi32>
      %lt3A_21 = arith.cmpi slt, %add3A_19, %lt3A_20 : vector<1024xi32>
      %jit3A = arith.constant 0.000000e+00 : f32
      %broadcast_in_dim3A = vector.broadcast %jit3A : f32 to vector<1024xf32>
      %select_n3A = arith.select %lt3A_21, %reduce_sum3A_16, %broadcast_in_dim3A : vector<1024xi1>, vector<1024xf32>
      %get3A_22 = arith.constant 0 : index
      %get3A_23 = memref.load %arg9[%get3A_22] : memref<1xf32, #tpu.memory_space<smem>>
      %reduce_max3A = vector.shape_cast %select_n3A : vector<1024xf32> to vector<1x1024xf32>
      %reduce_max3A_24 = arith.constant dense<0xFF800000> : vector<1xf32>
      %reduce_max3A_25 = vector.multi_reduction <maximumf>, %reduce_max3A, %reduce_max3A_24 [1] : vector<1x1024xf32> to vector<1xf32>
      %reduce_max3A_26 = vector.shape_cast %reduce_max3A_25 : vector<1xf32> to vector<1x1xf32>
      %reduce_max3A_27 = vector.extract %reduce_max3A_26[0, 0] : f32 from vector<1x1xf32>
      %max3A = arith.maximumf %get3A_23, %reduce_max3A_27 : f32
      %swap3A = arith.constant 0 : index
      %swap3A_28 = memref.load %arg9[%swap3A] : memref<1xf32, #tpu.memory_space<smem>>
      memref.store %max3A, %arg9[%swap3A] : memref<1xf32, #tpu.memory_space<smem>>
    } else {
    }
    %eq3A_9 = arith.constant 1 : i32
    %eq3A_10 = arith.cmpi eq, %arg0, %eq3A_9 : i32
    %convert_element_type3A_11 = arith.extui %eq3A_10 : i1 to i32
    %cond3A_12 = arith.constant 0 : i32
    %cond3A_13 = arith.cmpi ne, %convert_element_type3A_11, %cond3A_12 : i32
    scf.if %cond3A_13 {
      %get3A = arith.constant 0 : index
      %get3A_14 = arith.constant 0 : index
      %get3A_15 = arith.constant 0 : index
      %get3A_16 = vector.load %arg2[%get3A, %get3A_14, %get3A_15] : memref<3x2x1024xf32, #tpu.memory_space<vmem>>, vector<3x2x1024xf32>
      %slice3A = vector.extract_strided_slice %get3A_16 {offsets = [0, 0, 0], sizes = [3, 1, 1024], strides = [1, 1, 1]} : vector<3x2x1024xf32> to vector<3x1x1024xf32>
      %squeeze3A = vector.shape_cast %slice3A : vector<3x1x1024xf32> to vector<3x1024xf32>
      %slice3A_17 = vector.extract_strided_slice %get3A_16 {offsets = [0, 1, 0], sizes = [3, 1, 1024], strides = [1, 1, 1]} : vector<3x2x1024xf32> to vector<3x1x1024xf32>
      %squeeze3A_18 = vector.shape_cast %slice3A_17 : vector<3x1x1024xf32> to vector<3x1024xf32>
      %add3A = arith.addf %squeeze3A, %squeeze3A_18 : vector<3x1024xf32>
      %get3A_19 = arith.constant 0 : index
      %get3A_20 = arith.constant 0 : index
      %get3A_21 = vector.load %arg3[%get3A_19, %get3A_20] : memref<8x1024xf32, #tpu.memory_space<vmem>>, vector<8x1024xf32>
      %reduce_sum3A = arith.constant dense<0.000000e+00> : vector<1024xf32>
      %reduce_sum3A_22 = vector.multi_reduction <add>, %get3A_21, %reduce_sum3A [0] : vector<8x1024xf32> to vector<1024xf32>
      %broadcast_in_dim3A = vector.shape_cast %reduce_sum3A_22 : vector<1024xf32> to vector<1x1024xf32>
      %get3A_23 = arith.constant 0 : index
      %get3A_24 = arith.constant 0 : index
      %get3A_25 = vector.load %arg4[%get3A_23, %get3A_24] : memref<3x1024xf32, #tpu.memory_space<vmem>>, vector<3x1024xf32>
      %mul3A = vector.broadcast %broadcast_in_dim3A : vector<1x1024xf32> to vector<3x1024xf32>
      %mul3A_26 = arith.mulf %mul3A, %get3A_25 : vector<3x1024xf32>
      %sub3A = arith.subf %add3A, %mul3A_26 : vector<3x1024xf32>
      %get3A_27 = arith.constant 0 : index
      %get3A_28 = arith.constant 0 : index
      %get3A_29 = vector.load %arg5[%get3A_27, %get3A_28] : memref<9x1024xf32, #tpu.memory_space<vmem>>, vector<9x1024xf32>
      %slice3A_30 = vector.extract_strided_slice %get3A_29 {offsets = [0, 0], sizes = [1, 1024], strides = [1, 1]} : vector<9x1024xf32> to vector<1x1024xf32>
      %slice3A_31 = vector.extract_strided_slice %get3A_29 {offsets = [3, 0], sizes = [1, 1024], strides = [1, 1]} : vector<9x1024xf32> to vector<1x1024xf32>
      %slice3A_32 = vector.extract_strided_slice %get3A_29 {offsets = [6, 0], sizes = [1, 1024], strides = [1, 1]} : vector<9x1024xf32> to vector<1x1024xf32>
      %concatenate3A = tpu.concatenate %slice3A_30, %slice3A_31, %slice3A_32 in 0 : vector<1x1024xf32>, vector<1x1024xf32>, vector<1x1024xf32> -> vector<3x1024xf32>
      %mul3A_33 = arith.mulf %sub3A, %concatenate3A : vector<3x1024xf32>
      %reduce_sum3A_34 = arith.constant dense<0.000000e+00> : vector<1024xf32>
      %reduce_sum3A_35 = vector.multi_reduction <add>, %mul3A_33, %reduce_sum3A_34 [0] : vector<3x1024xf32> to vector<1024xf32>
      %broadcast_in_dim3A_36 = vector.shape_cast %reduce_sum3A_35 : vector<1024xf32> to vector<1x1024xf32>
      %slice3A_37 = vector.extract_strided_slice %get3A_29 {offsets = [1, 0], sizes = [1, 1024], strides = [1, 1]} : vector<9x1024xf32> to vector<1x1024xf32>
      %slice3A_38 = vector.extract_strided_slice %get3A_29 {offsets = [4, 0], sizes = [1, 1024], strides = [1, 1]} : vector<9x1024xf32> to vector<1x1024xf32>
      %slice3A_39 = vector.extract_strided_slice %get3A_29 {offsets = [7, 0], sizes = [1, 1024], strides = [1, 1]} : vector<9x1024xf32> to vector<1x1024xf32>
      %concatenate3A_40 = tpu.concatenate %slice3A_37, %slice3A_38, %slice3A_39 in 0 : vector<1x1024xf32>, vector<1x1024xf32>, vector<1x1024xf32> -> vector<3x1024xf32>
      %mul3A_41 = arith.mulf %sub3A, %concatenate3A_40 : vector<3x1024xf32>
      %reduce_sum3A_42 = arith.constant dense<0.000000e+00> : vector<1024xf32>
      %reduce_sum3A_43 = vector.multi_reduction <add>, %mul3A_41, %reduce_sum3A_42 [0] : vector<3x1024xf32> to vector<1024xf32>
      %broadcast_in_dim3A_44 = vector.shape_cast %reduce_sum3A_43 : vector<1024xf32> to vector<1x1024xf32>
      %slice3A_45 = vector.extract_strided_slice %get3A_29 {offsets = [2, 0], sizes = [1, 1024], strides = [1, 1]} : vector<9x1024xf32> to vector<1x1024xf32>
      %slice3A_46 = vector.extract_strided_slice %get3A_29 {offsets = [5, 0], sizes = [1, 1024], strides = [1, 1]} : vector<9x1024xf32> to vector<1x1024xf32>
      %slice3A_47 = vector.extract_strided_slice %get3A_29 {offsets = [8, 0], sizes = [1, 1024], strides = [1, 1]} : vector<9x1024xf32> to vector<1x1024xf32>
      %concatenate3A_48 = tpu.concatenate %slice3A_45, %slice3A_46, %slice3A_47 in 0 : vector<1x1024xf32>, vector<1x1024xf32>, vector<1x1024xf32> -> vector<3x1024xf32>
      %mul3A_49 = arith.mulf %sub3A, %concatenate3A_48 : vector<3x1024xf32>
      %reduce_sum3A_50 = arith.constant dense<0.000000e+00> : vector<1024xf32>
      %reduce_sum3A_51 = vector.multi_reduction <add>, %mul3A_49, %reduce_sum3A_50 [0] : vector<3x1024xf32> to vector<1024xf32>
      %broadcast_in_dim3A_52 = vector.shape_cast %reduce_sum3A_51 : vector<1024xf32> to vector<1x1024xf32>
      %concatenate3A_53 = tpu.concatenate %broadcast_in_dim3A_36, %broadcast_in_dim3A_44, %broadcast_in_dim3A_52 in 0 : vector<1x1024xf32>, vector<1x1024xf32>, vector<1x1024xf32> -> vector<3x1024xf32>
      %get3A_54 = arith.constant 0 : index
      %get3A_55 = arith.constant 0 : index
      %get3A_56 = vector.load %arg6[%get3A_54, %get3A_55] : memref<3x128xf32, #tpu.memory_space<vmem>>, vector<3x128xf32>
      %dot_general3A = arith.constant dense<0.000000e+00> : vector<1024x128xf32>
      %dot_general3A_57 = tpu.matmul %concatenate3A_53, %get3A_56, %dot_general3A {dimension_numbers = #tpu.dot_dimension_numbers<[0], [0], [1], [1], [0, 1, 1, 1], [], []>, transpose_lhs_hint = false} : vector<3x1024xf32>, vector<3x128xf32>, vector<1024x128xf32> -> vector<1024x128xf32>
      %get3A_58 = arith.constant 0 : index
      %get3A_59 = memref.load %arg9[%get3A_58] : memref<1xf32, #tpu.memory_space<smem>>
      %get3A_60 = arith.constant 0 : index
      %get3A_61 = arith.constant 0 : index
      %get3A_62 = vector.load %arg7[%get3A_60, %get3A_61] : memref<1x128xf32, #tpu.memory_space<vmem>>, vector<1x128xf32>
      %mul3A_63 = vector.broadcast %get3A_59 : f32 to vector<1x128xf32>
      %mul3A_64 = arith.mulf %mul3A_63, %get3A_62 : vector<1x128xf32>
      %add3A_65 = vector.broadcast %mul3A_64 : vector<1x128xf32> to vector<1024x128xf32>
      %add3A_66 = arith.addf %dot_general3A_57, %add3A_65 : vector<1024x128xf32>
      %swap3A = arith.constant 0 : index
      %swap3A_67 = arith.constant 0 : index
      %swap3A_68 = vector.load %arg8[%swap3A, %swap3A_67] : memref<1024x128xf32, #tpu.memory_space<vmem>>, vector<1024x128xf32>
      tpu.vector_store %arg8[%swap3A, %swap3A_67], %add3A_66 {strides = array<i32>} : memref<1024x128xf32, #tpu.memory_space<vmem>>, vector<1024x128xf32>,
    } else {
    }
    return
  }
  func.func @transform_0(%arg0: i32, %arg1: i32) -> (i32, i32, i32) {
    %mul3A = arith.muli %arg1, %arg0 : i32
    %c0_i32 = arith.constant 0 : i32
    %c0_i32_0 = arith.constant 0 : i32
    %c0_i32_1 = arith.constant 0 : i32
    return %c0_i32, %c0_i32_0, %mul3A : i32, i32, i32
  }
  func.func @transform_1(%arg0: i32, %arg1: i32) -> (i32, i32) {
    %c0_i32 = arith.constant 0 : i32
    %c0_i32_0 = arith.constant 0 : i32
    return %c0_i32, %arg1 : i32, i32
  }
  func.func @transform_2(%arg0: i32, %arg1: i32) -> (i32, i32) {
    %mul3A = arith.muli %arg1, %arg0 : i32
    %c0_i32 = arith.constant 0 : i32
    %c0_i32_0 = arith.constant 0 : i32
    return %c0_i32, %mul3A : i32, i32
  }
  func.func @transform_3(%arg0: i32, %arg1: i32) -> (i32, i32) {
    %mul3A = arith.muli %arg1, %arg0 : i32
    %c0_i32 = arith.constant 0 : i32
    %c0_i32_0 = arith.constant 0 : i32
    return %c0_i32, %mul3A : i32, i32
  }
  func.func @transform_4(%arg0: i32, %arg1: i32) -> (i32, i32) {
    %c0_i32 = arith.constant 0 : i32
    %c0_i32_0 = arith.constant 0 : i32
    %c0_i32_1 = arith.constant 0 : i32
    return %c0_i32, %c0_i32_0 : i32, i32
  }
  func.func @transform_5(%arg0: i32, %arg1: i32) -> (i32, i32) {
    %c0_i32 = arith.constant 0 : i32
    %c0_i32_0 = arith.constant 0 : i32
    %c0_i32_1 = arith.constant 0 : i32
    return %c0_i32, %c0_i32_0 : i32, i32
  }
  func.func @transform_6(%arg0: i32, %arg1: i32) -> (i32, i32) {
    %mul3A = arith.muli %arg1, %arg0 : i32
    %c0_i32 = arith.constant 0 : i32
    %c0_i32_0 = arith.constant 0 : i32
    return %mul3A, %c0_i32 : i32, i32
  }
}

</mosaic_0001>

<sc_bundles>
// kernel: kernel.4.cloned.1.call-start
scs
__scs_entry_jumppad:
0x0: {  	(pc) =	sbr.rel $0x88, $3  }
0x1: {  	(tag) =	ssettag $0x0;
	lr =	simm.s32 $0x1  }
0x2: {  	[smem:$0x3F9C] =	sst lr;
	_ =	strace $0xD0000000  }
0x3: {  	_ = 	snop  }
0x4: {  	_ = 	snop  }
0x5: {  	_ = 	snop  }
0x6: {  	_ = 	snop  }
0x7: {  	_ = 	snop  }
__scs_overlays_trampoline_lowered:
0x8: {  	[smem:$0x3FAB] =	sst s0  }
0x9: {  	[smem:$0x3FAC] =	sst s1  }
0xa: {  	[smem:$0x3FAD] =	sst s2  }
0xb: {  	[smem:$0x3FAE] =	sst s3  }
0xc: {  	[smem:$0x3FAF] =	sst s4  }
0xd: {  	[smem:$0x3FB0] =	sst s5  }
0xe: {  	[smem:$0x3FB1] =	sst s6  }
0xf: {  	[smem:$0x3FB2] =	sst s7  }
0x10: {  	[smem:$0x3FB3] =	sst s8  }
0x11: {  	[smem:$0x3FB4] =	sst s9;
	s0 =	simm.s32 @!p0 $0x0  }
0x12: {  	s1 =	sld [smem:$0x3F9A];
	s0 =	simm.s32 @p0 $0x1  }
0x13: {  	[smem:$0x3FB5] =	sst s0;
	s0 =	simm.s32 @!p1 $0x0  }
0x14: {  	s2 =	sld [smem:$0x3F99];
	s0 =	simm.s32 @p1 $0x1  }
0x15: {  	[smem:$0x3FB6] =	sst s0;
	s0 =	simm.s32 @!p2 $0x0  }
0x16: {  	s3 =	sld [smem:$0x3FDB];
	s0 =	simm.s32 @p2 $0x1  }
0x17: {  	s4 =	simm.s32 $0x1BF5;
	[smem:$0x3FB8] =	sst s0  }
0x18: {  	s0 =	sld [smem:$0x3F9B];
	_ =	swait.ge [sflag:s4], $0x0  }
0x19: {  	s7 =	sld [smem:$0x3F9C]  }
0x1a: {  	s8 =	sadd.s32 $0xFFFFE003, lr  }
0x1b: {  	s9 =	sadd.s32 $0xFFFFFEF7, lr;
	s5 =	simm.s32 $0xFFFFFFFF;
	p2 =	slt.u32 s8, $0xFFFFF086  }
0x1c: {  	p1 =	slt.u32 s9, $0xF7A;
	s5 =	simm.s32 @!p2 $0x0  }
0x1d: {  	s5 =	simm.s32 @p1 $0x1;
	p0 =	seq.s32 s7, s2  }
0x1e: {  	s7 =	smul.u32 @!p0 $0xF7A, s2;
	p2 =	seq.s32 @!p0 s5, $0x0  }
0x1f: {  	s9 =	smul.u32 $0xF7A, s1;
	s8 =	simm.s32 @!p0 $0x1BF5;
	p2 =	por !p2, p0  }
0x20: {  	[sflag:s8] =	ssyncset.s32 @!p0 $0xFFFFF086;
	s6 =	sadd.s32 @!p0 s3, s7;
	s7 =	simm.s32 @!p0 $0x108  }
0x21: {  	s3 =	sadd.s32 s3, s9;
	s6 =	sadd.s32 @!p0 $0x88, s6;
	s7 =	simm.s32 @p2 $0x1082  }
0x22: {  	[simem:s7], [sflag:s8] =	dma.local @!p0 [hbm:s6], $0xF7A  }
0x23: {  	s9 =	sor.u32 $0xD0000000, s2;
	s6 =	simm.s32 $0x108;
	_ =	swait.ge @!p0 [sflag:s8], $0x0  }
0x24: {  	s3 =	sadd.s32 $0x88, s3;
	s6 =	simm.s32 @!p1 $0x1082;
	[sflag:s4] =	ssyncset.s32 $0xFFFFF086  }
0x25: {  	[simem:s6], [sflag:s4] =	dma.local [hbm:s3], $0xF7A  }
0x26: {  	[smem:$0x3F9C] =	sst s1;
	(tag) =	ssettag s2;
	_ =	strace s9  }
0x27: {  	s1 =	sld [smem:$0x3FAC]  }
0x28: {  	s2 =	sld [smem:$0x3FAD]  }
0x29: {  	s4 =	sld [smem:$0x3FAF]  }
0x2a: {  	p0 =	seq.s32 s5, $0x0;
	s5 =	sld [smem:$0x3FB0]  }
0x2b: {  	s6 =	sld [smem:$0x3FB1]  }
0x2c: {  	s7 =	sld [smem:$0x3FB2]  }
0x2d: {  	s3 =	simm.s32 $0x108;
	s8 =	sld [smem:$0x3FB3]  }
0x2e: {  	s3 =	simm.s32 @!p0 $0x1082;
	s9 =	sld [smem:$0x3FB4]  }
0x2f: {  	lr =	sadd.s32 s0, s3;
	s0 =	sld [smem:$0x3FAB]  }
0x30: {  	s3 =	sld [smem:$0x3FAE]  }
0x31: {  	[smem:$0x3FB7] =	sst s10  }
0x32: {  	s10 =	sld [smem:$0x3FB5];
	_ =	sdelay $0x3  }
0x33: {  	p0 =	seq.s32 s10, $0x1;
	s10 =	sld [smem:$0x3FB7];
	_ =	sdelay $0x3  }
0x34: {  	[smem:$0x3FB7] =	sst s10  }
0x35: {  	s10 =	sld [smem:$0x3FB6];
	_ =	sdelay $0x3  }
0x36: {  	p1 =	seq.s32 s10, $0x1;
	s10 =	sld [smem:$0x3FB7];
	_ =	sdelay $0x3  }
0x37: {  	[smem:$0x3FB7] =	sst s10  }
0x38: {  	s10 =	sld [smem:$0x3FB8]  }
0x39: {  	_ = 	snop;
	(pc) =	sbr.ind lr, $3  }
0x3a: {  	_ = 	snop  }
0x3b: {  	_ = 	snop  }
0x3c: {  	p2 =	seq.s32 s10, $0x1;
	s10 =	sld [smem:$0x3FB7]  }
0x3d: {  	_ =	shalt  }
0x3e: {  	_ =	shalt  }
0x3f: {  	_ =	shalt  }
0x40: {  	_ =	shalt  }
0x41: {  	_ =	shalt  }
0x42: {  	_ =	shalt  }
0x43: {  	_ =	shalt  }
0x44: {  	_ =	shalt  }
0x45: {  	_ =	shalt  }
0x46: {  	_ =	shalt  }
0x47: {  	_ =	shalt  }
0x48: {  	_ =	shalt  }
0x49: {  	_ =	shalt  }
0x4a: {  	_ =	shalt  }
0x4b: {  	_ =	shalt  }
0x4c: {  	_ =	shalt  }
0x4d: {  	_ =	shalt  }
0x4e: {  	_ =	shalt  }
0x4f: {  	_ =	shalt  }
0x50: {  	_ =	shalt  }
0x51: {  	_ =	shalt  }
0x52: {  	_ =	shalt  }
0x53: {  	_ =	shalt  }
0x54: {  	_ =	shalt  }
0x55: {  	_ =	shalt  }
0x56: {  	_ =	shalt  }
0x57: {  	_ =	shalt  }
0x58: {  	_ =	shalt  }
0x59: {  	_ =	shalt  }
0x5a: {  	_ =	shalt  }
0x5b: {  	_ =	shalt  }
0x5c: {  	_ =	shalt  }
0x5d: {  	_ =	shalt  }
0x5e: {  	_ =	shalt  }
0x5f: {  	_ =	shalt  }
0x60: {  	_ =	shalt  }
0x61: {  	_ =	shalt  }
0x62: {  	_ =	shalt  }
0x63: {  	_ =	shalt  }
0x64: {  	_ =	shalt  }
0x65: {  	_ =	shalt  }
0x66: {  	_ =	shalt  }
0x67: {  	_ =	shalt  }
0x68: {  	_ =	shalt  }
0x69: {  	_ =	shalt  }
0x6a: {  	_ =	shalt  }
0x6b: {  	_ =	shalt  }
0x6c: {  	_ =	shalt  }
0x6d: {  	_ =	shalt  }
0x6e: {  	_ =	shalt  }
0x6f: {  	_ =	shalt  }
0x70: {  	_ =	shalt  }
0x71: {  	_ =	shalt  }
0x72: {  	_ =	shalt  }
0x73: {  	_ =	shalt  }
0x74: {  	_ =	shalt  }
0x75: {  	_ =	shalt  }
0x76: {  	_ =	shalt  }
0x77: {  	_ =	shalt  }
0x78: {  	_ =	shalt  }
0x79: {  	_ =	shalt  }
0x7a: {  	_ =	shalt  }
0x7b: {  	_ =	shalt  }
0x7c: {  	_ =	shalt  }
0x7d: {  	_ =	shalt  }
0x7e: {  	_ =	shalt  }
0x7f: {  	_ =	shalt  }
0x80: {  	_ =	shalt  }
0x81: {  	_ =	shalt  }
0x82: {  	_ =	shalt  }
0x83: {  	_ =	shalt  }
0x84: {  	_ =	shalt  }
0x85: {  	_ =	shalt  }
0x86: {  	_ =	shalt  }
0x87: {  	_ =	shalt  }
.Lfunc_end0:
.L_simem_size_0:
called_computation_lowered:
.L_overlay_start_0:
0x88: {  	s2 =	sld [smem:$0x3FD9]  }
0x89: {  	s3 =	sld [smem:$0x3FFE];
	_ =	sdelay $0x1  }
0x8a: {  	s1 =	srdreg.scid  }
0x8b: {  	s0 =	sand.u32 $0x1, s1  }
0x8c: {  	s17 =	sshll.u32 s0, $0xA;
	s2 =	sadd.s32 s3, s2  }
0x8d: {  	s2 =	sadd.s32 s2, s17  }
0x8e: {  	[smem:$0x3FC3] =	sst s2  }
0x8f: {  	_ = 	snop  }
0x90: {  	s2 =	sld [smem:$0x3FD0];
	(tm) =	ssettm $0x1  }
0x91: {  	s18 =	sld [smem:$0x3FFB];
	_ =	sdelay $0x3  }
0x92: {  	_ =	strace s18  }
0x93: {  	s3 =	sld [smem:$0x3FFC];
	_ =	sdelay $0x3  }
0x94: {  	_ =	strace s3  }
0x95: {  	s3 =	sld [smem:$0x3FFD];
	_ =	sdelay $0x3  }
0x96: {  	_ =	strace s3  }
0x97: {  	_ =	strace $0x8FFFFFFF  }
0x98: {  	s19 =	sld [smem:$0x3FDB];
	_ =	sdelay $0x1  }
0x99: {  	s4 =	simm.s32 $_scs_section_size  }
0x9a: {  	s5 =	simm.s32 $_size__tile_overlayer_lowered;
	s6 =	simm.s32 $_tile_overlayer_lowered  }
0x9b: {  	s22 =	simm.s32 $0x1BFF;
	s21 =	sshll.u32 s6, $0x1;
	s3 =	sadd.s32 s4, s19  }
0x9c: {  	s7 =	simm.s32 $0x0;
	s20 =	sshll.u32 s5, $0x1;
	s5 =	sadd.s32 s21, s3  }
0x9d: {  	[timem:s7], [sflag:s22] =	dma.local [hbm:s5], s20  }
0x9e: {  	_ =	swait.ge [sflag:s22], s20  }
0x9f: {  	s4 =	ssub.s32 $0x0, s20;
	[sflag:s22] =	ssyncset.done $0x0  }
0xa0: {  	[sflag:s22] =	ssyncadd.s32 s4;
	_ =	sdelay $0x1  }
0xa1: {  	s23 =	simm.s32 $0x1B8B  }
0xa2: {  	_ =	swait.ge [sflag:s23], $0x1  }
0xa3: {  	[sflag:s23] =	ssyncset.done $0x0  }
0xa4: {  	s25 =	simm.s32 $0x1B8E;
	s24 =	sld [smem:$0x3FFE];
	[sflag:s23] =	ssyncadd.s32 $0xFFFFFFFF  }
0xa5: {  	s26 =	simm.s32 $execute0_lowered;
	[smem:$0x3FD2] =	sst s25  }
0xa6: {  	s5 =	sshll.u32 s26, $0x1;
	_ =	strace $0x80000046;
	[dreg:$0x1] =	wrdreg $0xFFFFFFFF  }
0xa7: {  	s28 =	simm.s32 $_size_execute0_lowered;
	s3 =	sadd.s32 s3, s5;
	[dreg:$0x0] =	wrdreg $0x0  }
0xa8: {  	s5 =	sshll.u32 s28, $0x1;
	[dreg:$0x2] =	wrdreg s3  }
0xa9: {  	[dreg:$0x3] =	wrdreg s5  }
0xaa: {  	[dreg:$0x4] =	wrdreg $0xC0  }
0xab: {  	_ =	task [dreg:s7], $0x5FFFF  }
0xac: {  	[dreg:$0x1] =	wrdreg $0xFFFFFFFF  }
0xad: {  	[dreg:$0x0] =	wrdreg $0x60  }
0xae: {  	[dreg:$0x2] =	wrdreg s24  }
0xaf: {  	[dreg:$0x3] =	wrdreg s2  }
0xb0: {  	[dreg:$0x4] =	wrdreg $0x9  }
0xb1: {  	_ =	task.clear_ibuf [dreg:s7], $0x5FFFF;
	_ =	strace $0x90000046  }
0xb2: {  	s29 =	simm.s32 $0x9;
	_ =	strace $0x80000048  }
0xb3: {  	_ =	swait.ge [sflag:s29], $0x1  }
0xb4: {  	[sflag:s29] =	ssyncadd.s32 $0xFFFFFFFF  }
0xb5: {  	_ =	strace $0x90000048  }
0xb6: {  	_ =	sfence  }
0xb7: {  	s30 =	sld [smem:$0x0];
	_ =	sdelay $0x2  }
0xb8: {  	s31 =	sshll.u32 s1, $0xD;
	s1 =	sshrl.u32 s1, $0x2  }
0xb9: {  	s3 =	sand.u32 $0x4000, s31;
	s1 =	sadd.s32 s1, s30  }
0xba: {  	s0 =	sor.u32 s3, s0;
	s1 =	sshll.u32 s1, $0x11  }
0xbb: {  	s0 =	sor.u32 s1, s0  }
0xbc: {  	s0 =	sadd.s32 $0x8F2B, s0  }
0xbd: {  	[sflag:s0] =	ssyncadd.remote.s32 $0x1  }
0xbe: {  	_ =	sfence.sel $0xFFFF  }
0xbf: {  	[dreg:$0x0] =	wrdreg $0xFFFFFFFF;
	(pc) =	sbr.abs _section_cstart, $3  }
0xc0: {  	[dreg:$0x1] =	wrdreg $0xFFFFFFFF  }
0xc1: {  	_ =	task.clear_ibuf [dreg:s7], $0x2FFFF;
	_ =	strace $0x9FFFFFFF  }
0xc2: {  	(tm) =	ssettm $0x7FFFFFFF  }
0xc3: {  	_ =	shalt  }
tec
execute0_lowered:
.L_overlay_start_1:
0x0: {  	(tag) =	ssettag $0x1  }
0x1: {  	s0 =	srdreg.scid  }
0x2: {  	s17 =	stileid.u32;
	s4 =	simm.s32 $0x1;
	s8 =	rddreg [dreg:$0x0]  }
0x3: {  	s2 =	rddreg [dreg:$0x1];
	s18 =	simm.s32 $0x6400;
	s19 =	simm.s32 $0x5  }
0x4: {  	s20 =	simm.s32 $0x1F800;
	s21 =	simm.s32 $0x1F400;
	s10 =	sand.u32 $0x1, s17  }
0x5: {  	s22 =	simm.s32 $0x1FA00;
	s23 =	simm.s32 $0x1F600;
	s24 =	smul.u32 $0x19000, s10  }
0x6: {  	s28 =	simm.s32 $0x0;
	s0 =	sand.u32 $0x1, s0;
	s30 =	smul.u32 $0x30E00, s10  }
0x7: {  	s3 =	sand.u32 $0x7, s17;
	s1 =	sshll.u32 s0, $0x4;
	s31 =	smul.u32 $0x187000, s10  }
0x8: {  	s6 =	sshrl.u32 s3, $0x1;
	s12 =	ssub.s32 $0x2, s0;
	s0 =	smul.u32 $0x61C000, s0  }
0x9: {  	p1 =	sne.s32 s3, $0x0;
	s3 =	simm.s32 $0x0;
	s25 =	smul.u32 $0x6400, s6  }
0xa: {  	s1 =	sor.u32 s17, s1;
	[smem:$0x7FF] =	sst s3;
	s17 =	smul.u32 $0x61C00, s17  }
0xb: {  	s13 =	sshrl.u32 s12, $0x1;
	p0 =	seq.s32 s1, $0x0;
	s9 =	smul.u32 $0x61C00, s1  }
0xc: {  	s5 =	sshrl.u32 s1, $0x3;
	_ =	strace $0x80000047;
	s14 =	smul.u32 $0x3200, s1  }
0xd: {  	s16 =	ssub.s32 s12, s13;
	s13 =	sor.u32 $0x200, s31;
	p0 =	por !p1, !p0  }
0xe: {  	s6 =	sadd.s32 s24, s25;
	s16 =	smax.u32 s16, $0x1;
	s17 =	sadd.s32 s17, s0  }
0xf: {  	s24 =	simm.s32 $0x2;
	v0 =	vmov s25;
	s25 =	simm.s32 $0x3;
	p0 =	por !p0, !p0  }
0x10: {  	s9 =	sadd.s32 $0xFF6D6000, s9;
	s29 =	sadd.s32 s8, s14;
	s4 =	simm.s32 @!p0 $0x0  }
0x11: {  	s14 =	sor.u32 $0x400, s31;
	s9 =	sshrl.u32 s9, $0x3;
	s4 =	ssub.s32 s5, s4  }
0x12: {  	p0 =	sgt.u32 s1, $0x17;
	s26 =	sadd.s32 s2, s9;
	s7 =	smul.u32 $0x32000, s4  }
0x13: {  	s5 =	smul.u32 $0x19000, s4;
	s4 =	simm.s32 $0x1;
	[dreg:$0x3] =	wrdreg s26  }
.Ltmp0:
0x14: {  	s26 =	simm.s32 $0x4;
	s7 =	sadd.s32 s7, s6;
	(pc) =	sbr.rel .LBB2_1-.Ltmp0, $4  }
0x15: {  	s5 =	sshrl.u32 s5, $0x3;
	s6 =	sadd.s32 $0x6C800, s8;
	s7 =	sshrl.u32 s7, $0x3  }
0x16: {  	s11 =	sadd.s32 s5, s8;
	s5 =	sadd.s32 $0xAC00, s8;
	s15 =	sadd.s32 s7, s8  }
0x17: {  	s8 =	sadd.s32 s5, s9;
	s9 =	sadd.s32 $0x37600, s29;
	s10 =	sadd.s32 $0x1600, s11  }
0x18: {  	v1 =	vimm.f32 $1.000000000e+00;
	s11 =	sadd.s32 s2, s30;
	s12 =	sadd.s32 s5, s30;
	s15 =	sadd.s32 $0x6FA00, s15  }
.LBB2_12:
0x19: {  	s28 =	sadd.s32 $0x1, s28  }
0x1a: {  	p1 =	sne.s32 s28, s16  }
.Ltmp1:
0x1b: {  	_ = 	snop;
	(pc) =	sbr.rel @!p1 .LBB2_13-.Ltmp1, $1  }
0x1c: {  	_ =	sdelay $0x3  }
.LBB2_1:
.Ltmp2:
0x1d: {  	(pc) =	sbr.rel @p0 .LBB2_9-.Ltmp2, $1  }
0x1e: {  	_ =	sdelay $0x3  }
0x1f: {  	s29 =	simm.s32 $0x0  }
0x20: {  	[tilespmem:s18], [sflag:$0x5] =	stream.linear.gather [hbm4b:s10+s29], $0x19000, $0x38;
	[tilespmem:$0x1FC00] =	vst v63  }
0x21: {  	_ =	swait.ge [sflag:s19], $0x19000  }
0x22: {  	[sflag:s19] =	ssyncset.done $0x0  }
0x23: {  	[sflag:s19] =	ssyncadd.s32 $0xFFFE7000  }
0x24: {  	[tilespmem:s29], [sflag:$0x5] =	stream.linear.gather [hbm4b:s6+s29], $0x6400, $0x38;
	[tilespmem:$0x1FC00] =	vst v63  }
0x25: {  	_ =	swait.ge [sflag:s19], $0x6400  }
0x26: {  	[sflag:s19] =	ssyncset.done $0x0  }
0x27: {  	[sflag:s19] =	ssyncadd.s32 $0xFFFF9C00  }
0x28: {  	[tilespmem:s20], [sflag:$0x1] =	stream.linear.gather [hbm4b:s11+s29], $0x200, $0x38;
	[tilespmem:$0x1FC00] =	vst v63  }
0x29: {  	s30 =	simm.s32 $0x0  }
0x2a: {  	[tilespmem:s21], [sflag:$0x2] =	stream.linear.gather [hbm4b:s12+s29], $0x200, $0x38;
	[tilespmem:$0x1FC00] =	vst v63  }
.LBB2_3:
0x2b: {  	s31 =	sshll.u32 s30, $0xA  }
0x2c: {  	s0 =	sadd.s32 s31, s13  }
0x2d: {  	s0 =	sshrl.u32 s0, $0x3  }
0x2e: {  	s1 =	sadd.s32 s2, s0  }
0x2f: {  	[tilespmem:s22], [sflag:$0x3] =	stream.linear.gather [hbm4b:s1+s29], $0x200, $0x38;
	[tilespmem:$0x1FC00] =	vst v63  }
0x30: {  	s0 =	sadd.s32 s5, s0  }
0x31: {  	[tilespmem:s23], [sflag:$0x4] =	stream.linear.gather [hbm4b:s0+s29], $0x200, $0x38;
	[tilespmem:$0x1FC00] =	vst v63  }
0x32: {  	_ =	swait.ge [sflag:s4], $0x200  }
0x33: {  	[sflag:s4] =	ssyncset.done $0x0  }
0x34: {  	[sflag:s4] =	ssyncadd.s32 $0xFFFFFE00  }
0x35: {  	_ =	swait.ge [sflag:s24], $0x200  }
0x36: {  	[sflag:s24] =	ssyncset.done $0x0  }
0x37: {  	s1 =	simm.s32 $0x0;
	[sflag:s24] =	ssyncadd.s32 $0xFFFFFE00  }
.LBB2_4:
0x38: {  	s0 =	sshra.s32 s1, $0x2  }
0x39: {  	v2 =	vld [tilespmem:s0+$0x1F400]  }
0x3a: {  	v3 =	vld [tilespmem:s0+$0x1F800];
	_ =	sdelay $0x4  }
0x3b: {  	v4 =	vsub.s32 v3, v0  }
0x3c: {  	v5 =	vsub.s32 v2, v0;
	vm0 =	vlt.u32 v4, $0x6400  }
0x3d: {  	vm1 =	vlt.u32 v5, $0x6400;
	v4 =	vnsel vm0, $0x0, v4;
	v2 =	vld.idx.msk [tilespmem:v2+s18+$0x0], $0xffff  }
0x3e: {  	v5 =	vnsel vm1, $0x0, v5;
	v3 =	vld.idx.msk [tilespmem:v3+s18+$0x0], $0xffff;
	_ =	sdelay $0x3  }
0x3f: {  	[tilespmem:v4+s3+$0x0] =	vst.idx.add.f32.msk vm0, v2  }
0x40: {  	[tilespmem:v5+s3+$0x0] =	vst.idx.add.f32.msk vm1, v3  }
0x41: {  	v2 =	vld [tilespmem:s0+$0x1F410]  }
0x42: {  	v3 =	vld [tilespmem:s0+$0x1F810];
	_ =	sdelay $0x4  }
0x43: {  	v50 =	vsub.s32 v3, v0  }
0x44: {  	v51 =	vsub.s32 v2, v0;
	vm14 =	vlt.u32 v50, $0x6400  }
0x45: {  	vm15 =	vlt.u32 v51, $0x6400;
	v4 =	vnsel vm14, $0x0, v50;
	v2 =	vld.idx.msk [tilespmem:v2+s18+$0x0], $0xffff  }
0x46: {  	v5 =	vnsel vm15, $0x0, v51;
	v3 =	vld.idx.msk [tilespmem:v3+s18+$0x0], $0xffff;
	_ =	sdelay $0x3  }
0x47: {  	[tilespmem:v4+s3+$0x0] =	vst.idx.add.f32.msk vm14, v2  }
0x48: {  	[tilespmem:v5+s3+$0x0] =	vst.idx.add.f32.msk vm15, v3  }
0x49: {  	v2 =	vld [tilespmem:s0+$0x1F420]  }
0x4a: {  	v3 =	vld [tilespmem:s0+$0x1F820];
	_ =	sdelay $0x4  }
0x4b: {  	v52 =	vsub.s32 v3, v0  }
0x4c: {  	v53 =	vsub.s32 v2, v0;
	vm4 =	vlt.u32 v52, $0x6400  }
0x4d: {  	vm5 =	vlt.u32 v53, $0x6400;
	v4 =	vnsel vm4, $0x0, v52;
	v2 =	vld.idx.msk [tilespmem:v2+s18+$0x0], $0xffff  }
0x4e: {  	v5 =	vnsel vm5, $0x0, v53;
	v3 =	vld.idx.msk [tilespmem:v3+s18+$0x0], $0xffff;
	_ =	sdelay $0x3  }
0x4f: {  	[tilespmem:v4+s3+$0x0] =	vst.idx.add.f32.msk vm4, v2  }
0x50: {  	[tilespmem:v5+s3+$0x0] =	vst.idx.add.f32.msk vm5, v3  }
0x51: {  	v2 =	vld [tilespmem:s0+$0x1F430]  }
0x52: {  	v3 =	vld [tilespmem:s0+$0x1F830];
	_ =	sdelay $0x4  }
0x53: {  	v54 =	vsub.s32 v3, v0  }
0x54: {  	v55 =	vsub.s32 v2, v0;
	vm6 =	vlt.u32 v54, $0x6400  }
0x55: {  	vm7 =	vlt.u32 v55, $0x6400;
	v4 =	vnsel vm6, $0x0, v54;
	v2 =	vld.idx.msk [tilespmem:v2+s18+$0x0], $0xffff  }
0x56: {  	v5 =	vnsel vm7, $0x0, v55;
	v3 =	vld.idx.msk [tilespmem:v3+s18+$0x0], $0xffff;
	_ =	sdelay $0x3  }
0x57: {  	[tilespmem:v4+s3+$0x0] =	vst.idx.add.f32.msk vm6, v2  }
0x58: {  	[tilespmem:v5+s3+$0x0] =	vst.idx.add.f32.msk vm7, v3  }
0x59: {  	v2 =	vld [tilespmem:s0+$0x1F440]  }
0x5a: {  	v3 =	vld [tilespmem:s0+$0x1F840];
	_ =	sdelay $0x4  }
0x5b: {  	v56 =	vsub.s32 v3, v0  }
0x5c: {  	v57 =	vsub.s32 v2, v0;
	vm8 =	vlt.u32 v56, $0x6400  }
0x5d: {  	vm9 =	vlt.u32 v57, $0x6400;
	v4 =	vnsel vm8, $0x0, v56;
	v2 =	vld.idx.msk [tilespmem:v2+s18+$0x0], $0xffff  }
0x5e: {  	v5 =	vnsel vm9, $0x0, v57;
	v3 =	vld.idx.msk [tilespmem:v3+s18+$0x0], $0xffff;
	_ =	sdelay $0x3  }
0x5f: {  	[tilespmem:v4+s3+$0x0] =	vst.idx.add.f32.msk vm8, v2  }
0x60: {  	[tilespmem:v5+s3+$0x0] =	vst.idx.add.f32.msk vm9, v3  }
0x61: {  	v2 =	vld [tilespmem:s0+$0x1F450]  }
0x62: {  	v3 =	vld [tilespmem:s0+$0x1F850];
	_ =	sdelay $0x4  }
0x63: {  	v58 =	vsub.s32 v3, v0  }
0x64: {  	v59 =	vsub.s32 v2, v0;
	vm10 =	vlt.u32 v58, $0x6400  }
0x65: {  	vm11 =	vlt.u32 v59, $0x6400;
	v4 =	vnsel vm10, $0x0, v58;
	v2 =	vld.idx.msk [tilespmem:v2+s18+$0x0], $0xffff  }
0x66: {  	v5 =	vnsel vm11, $0x0, v59;
	v3 =	vld.idx.msk [tilespmem:v3+s18+$0x0], $0xffff;
	_ =	sdelay $0x3  }
0x67: {  	[tilespmem:v4+s3+$0x0] =	vst.idx.add.f32.msk vm10, v2  }
0x68: {  	[tilespmem:v5+s3+$0x0] =	vst.idx.add.f32.msk vm11, v3  }
0x69: {  	v2 =	vld [tilespmem:s0+$0x1F460]  }
0x6a: {  	v3 =	vld [tilespmem:s0+$0x1F860];
	_ =	sdelay $0x4  }
0x6b: {  	v60 =	vsub.s32 v3, v0  }
0x6c: {  	v61 =	vsub.s32 v2, v0;
	vm12 =	vlt.u32 v60, $0x6400  }
0x6d: {  	vm13 =	vlt.u32 v61, $0x6400;
	v4 =	vnsel vm12, $0x0, v60;
	v2 =	vld.idx.msk [tilespmem:v2+s18+$0x0], $0xffff  }
0x6e: {  	v5 =	vnsel vm13, $0x0, v61;
	v3 =	vld.idx.msk [tilespmem:v3+s18+$0x0], $0xffff;
	_ =	sdelay $0x3  }
0x6f: {  	[tilespmem:v4+s3+$0x0] =	vst.idx.add.f32.msk vm12, v2  }
0x70: {  	[tilespmem:v5+s3+$0x0] =	vst.idx.add.f32.msk vm13, v3  }
0x71: {  	v2 =	vld [tilespmem:s0+$0x1F470]  }
0x72: {  	v3 =	vld [tilespmem:s0+$0x1F870];
	_ =	sdelay $0x4  }
0x73: {  	v62 =	vsub.s32 v3, v0  }
0x74: {  	v63 =	vsub.s32 v2, v0;
	vm14 =	vlt.u32 v62, $0x6400  }
0x75: {  	vm15 =	vlt.u32 v63, $0x6400;
	v4 =	vnsel vm14, $0x0, v62;
	v2 =	vld.idx.msk [tilespmem:v2+s18+$0x0], $0xffff  }
0x76: {  	p1 =	sne.s32 s1, $0x600;
	v5 =	vnsel vm15, $0x0, v63;
	v3 =	vld.idx.msk [tilespmem:v3+s18+$0x0], $0xffff  }
.Ltmp3:
0x77: {  	_ = 	snop;
	(pc) =	sbr.rel @p1 .LBB2_4-.Ltmp3, $3  }
0x78: {  	_ =	sdelay $0x1  }
0x79: {  	[tilespmem:v4+s3+$0x0] =	vst.idx.add.f32.msk vm14, v2  }
0x7a: {  	s1 =	sadd.s32 $0x200, s1;
	[tilespmem:v5+s3+$0x0] =	vst.idx.add.f32.msk vm15, v3  }
0x7b: {  	p1 =	seq.s32 s30, $0x61B  }
0x7c: {  	s0 =	sadd.s32 @!p1 s31, s14  }
0x7d: {  	s0 =	sshrl.u32 @!p1 s0, $0x3  }
0x7e: {  	s31 =	simm.s32 @!p1 $0x0;
	s7 =	simm.s32 @!p1 $0x1F800;
	s1 =	sadd.s32 @!p1 s2, s0  }
0x7f: {  	[tilespmem:s7], [sflag:$0x1] =	stream.linear.gather @!p1 [hbm4b:s1+s31], $0x200, $0x38;
	[tilespmem:$0x1FC00] =	vst v63  }
0x80: {  	s0 =	sadd.s32 @!p1 s5, s0;
	s1 =	simm.s32 @!p1 $0x1F400  }
0x81: {  	[tilespmem:s1], [sflag:$0x2] =	stream.linear.gather @!p1 [hbm4b:s0+s31], $0x200, $0x38;
	[tilespmem:$0x1FC00] =	vst v63  }
0x82: {  	_ =	swait.ge [sflag:s25], $0x200  }
0x83: {  	[sflag:s25] =	ssyncset.done $0x0  }
0x84: {  	[sflag:s25] =	ssyncadd.s32 $0xFFFFFE00  }
0x85: {  	_ =	swait.ge [sflag:s26], $0x200  }
0x86: {  	[sflag:s26] =	ssyncset.done $0x0  }
0x87: {  	s1 =	simm.s32 $0x0;
	[sflag:s26] =	ssyncadd.s32 $0xFFFFFE00  }
.LBB2_6:
0x88: {  	s0 =	sshra.s32 s1, $0x2  }
0x89: {  	v2 =	vld [tilespmem:s0+$0x1F600]  }
0x8a: {  	v3 =	vld [tilespmem:s0+$0x1FA00];
	_ =	sdelay $0x4  }
0x8b: {  	v4 =	vsub.s32 v3, v0  }
0x8c: {  	v5 =	vsub.s32 v2, v0;
	vm0 =	vlt.u32 v4, $0x6400  }
0x8d: {  	vm1 =	vlt.u32 v5, $0x6400;
	v4 =	vnsel vm0, $0x0, v4;
	v2 =	vld.idx.msk [tilespmem:v2+s18+$0x0], $0xffff  }
0x8e: {  	v5 =	vnsel vm1, $0x0, v5;
	v3 =	vld.idx.msk [tilespmem:v3+s18+$0x0], $0xffff;
	_ =	sdelay $0x3  }
0x8f: {  	[tilespmem:v4+s3+$0x0] =	vst.idx.add.f32.msk vm0, v2  }
0x90: {  	[tilespmem:v5+s3+$0x0] =	vst.idx.add.f32.msk vm1, v3  }
0x91: {  	v2 =	vld [tilespmem:s0+$0x1F610]  }
0x92: {  	v3 =	vld [tilespmem:s0+$0x1FA10];
	_ =	sdelay $0x4  }
0x93: {  	v50 =	vsub.s32 v3, v0  }
0x94: {  	v51 =	vsub.s32 v2, v0;
	vm14 =	vlt.u32 v50, $0x6400  }
0x95: {  	vm15 =	vlt.u32 v51, $0x6400;
	v4 =	vnsel vm14, $0x0, v50;
	v2 =	vld.idx.msk [tilespmem:v2+s18+$0x0], $0xffff  }
0x96: {  	v5 =	vnsel vm15, $0x0, v51;
	v3 =	vld.idx.msk [tilespmem:v3+s18+$0x0], $0xffff;
	_ =	sdelay $0x3  }
0x97: {  	[tilespmem:v4+s3+$0x0] =	vst.idx.add.f32.msk vm14, v2  }
0x98: {  	[tilespmem:v5+s3+$0x0] =	vst.idx.add.f32.msk vm15, v3  }
0x99: {  	v2 =	vld [tilespmem:s0+$0x1F620]  }
0x9a: {  	v3 =	vld [tilespmem:s0+$0x1FA20];
	_ =	sdelay $0x4  }
0x9b: {  	v52 =	vsub.s32 v3, v0  }
0x9c: {  	v53 =	vsub.s32 v2, v0;
	vm4 =	vlt.u32 v52, $0x6400  }
0x9d: {  	vm5 =	vlt.u32 v53, $0x6400;
	v4 =	vnsel vm4, $0x0, v52;
	v2 =	vld.idx.msk [tilespmem:v2+s18+$0x0], $0xffff  }
0x9e: {  	v5 =	vnsel vm5, $0x0, v53;
	v3 =	vld.idx.msk [tilespmem:v3+s18+$0x0], $0xffff;
	_ =	sdelay $0x3  }
0x9f: {  	[tilespmem:v4+s3+$0x0] =	vst.idx.add.f32.msk vm4, v2  }
0xa0: {  	[tilespmem:v5+s3+$0x0] =	vst.idx.add.f32.msk vm5, v3  }
0xa1: {  	v2 =	vld [tilespmem:s0+$0x1F630]  }
0xa2: {  	v3 =	vld [tilespmem:s0+$0x1FA30];
	_ =	sdelay $0x4  }
0xa3: {  	v54 =	vsub.s32 v3, v0  }
0xa4: {  	v55 =	vsub.s32 v2, v0;
	vm6 =	vlt.u32 v54, $0x6400  }
0xa5: {  	vm7 =	vlt.u32 v55, $0x6400;
	v4 =	vnsel vm6, $0x0, v54;
	v2 =	vld.idx.msk [tilespmem:v2+s18+$0x0], $0xffff  }
0xa6: {  	v5 =	vnsel vm7, $0x0, v55;
	v3 =	vld.idx.msk [tilespmem:v3+s18+$0x0], $0xffff;
	_ =	sdelay $0x3  }
0xa7: {  	[tilespmem:v4+s3+$0x0] =	vst.idx.add.f32.msk vm6, v2  }
0xa8: {  	[tilespmem:v5+s3+$0x0] =	vst.idx.add.f32.msk vm7, v3  }
0xa9: {  	v2 =	vld [tilespmem:s0+$0x1F640]  }
0xaa: {  	v3 =	vld [tilespmem:s0+$0x1FA40];
	_ =	sdelay $0x4  }
0xab: {  	v56 =	vsub.s32 v3, v0  }
0xac: {  	v57 =	vsub.s32 v2, v0;
	vm8 =	vlt.u32 v56, $0x6400  }
0xad: {  	vm9 =	vlt.u32 v57, $0x6400;
	v4 =	vnsel vm8, $0x0, v56;
	v2 =	vld.idx.msk [tilespmem:v2+s18+$0x0], $0xffff  }
0xae: {  	v5 =	vnsel vm9, $0x0, v57;
	v3 =	vld.idx.msk [tilespmem:v3+s18+$0x0], $0xffff;
	_ =	sdelay $0x3  }
0xaf: {  	[tilespmem:v4+s3+$0x0] =	vst.idx.add.f32.msk vm8, v2  }
0xb0: {  	[tilespmem:v5+s3+$0x0] =	vst.idx.add.f32.msk vm9, v3  }
0xb1: {  	v2 =	vld [tilespmem:s0+$0x1F650]  }
0xb2: {  	v3 =	vld [tilespmem:s0+$0x1FA50];
	_ =	sdelay $0x4  }
0xb3: {  	v58 =	vsub.s32 v3, v0  }
0xb4: {  	v59 =	vsub.s32 v2, v0;
	vm10 =	vlt.u32 v58, $0x6400  }
0xb5: {  	vm11 =	vlt.u32 v59, $0x6400;
	v4 =	vnsel vm10, $0x0, v58;
	v2 =	vld.idx.msk [tilespmem:v2+s18+$0x0], $0xffff  }
0xb6: {  	v5 =	vnsel vm11, $0x0, v59;
	v3 =	vld.idx.msk [tilespmem:v3+s18+$0x0], $0xffff;
	_ =	sdelay $0x3  }
0xb7: {  	[tilespmem:v4+s3+$0x0] =	vst.idx.add.f32.msk vm10, v2  }
0xb8: {  	[tilespmem:v5+s3+$0x0] =	vst.idx.add.f32.msk vm11, v3  }
0xb9: {  	v2 =	vld [tilespmem:s0+$0x1F660]  }
0xba: {  	v3 =	vld [tilespmem:s0+$0x1FA60];
	_ =	sdelay $0x4  }
0xbb: {  	v60 =	vsub.s32 v3, v0  }
0xbc: {  	v61 =	vsub.s32 v2, v0;
	vm12 =	vlt.u32 v60, $0x6400  }
0xbd: {  	vm13 =	vlt.u32 v61, $0x6400;
	v4 =	vnsel vm12, $0x0, v60;
	v2 =	vld.idx.msk [tilespmem:v2+s18+$0x0], $0xffff  }
0xbe: {  	v5 =	vnsel vm13, $0x0, v61;
	v3 =	vld.idx.msk [tilespmem:v3+s18+$0x0], $0xffff;
	_ =	sdelay $0x3  }
0xbf: {  	[tilespmem:v4+s3+$0x0] =	vst.idx.add.f32.msk vm12, v2  }
0xc0: {  	[tilespmem:v5+s3+$0x0] =	vst.idx.add.f32.msk vm13, v3  }
0xc1: {  	v2 =	vld [tilespmem:s0+$0x1F670]  }
0xc2: {  	v3 =	vld [tilespmem:s0+$0x1FA70];
	_ =	sdelay $0x4  }
0xc3: {  	v62 =	vsub.s32 v3, v0  }
0xc4: {  	v63 =	vsub.s32 v2, v0;
	vm14 =	vlt.u32 v62, $0x6400  }
0xc5: {  	vm15 =	vlt.u32 v63, $0x6400;
	v4 =	vnsel vm14, $0x0, v62;
	v2 =	vld.idx.msk [tilespmem:v2+s18+$0x0], $0xffff  }
0xc6: {  	p1 =	sne.s32 s1, $0x600;
	v5 =	vnsel vm15, $0x0, v63;
	v3 =	vld.idx.msk [tilespmem:v3+s18+$0x0], $0xffff  }
.Ltmp4:
0xc7: {  	_ = 	snop;
	(pc) =	sbr.rel @p1 .LBB2_6-.Ltmp4, $3  }
0xc8: {  	_ =	sdelay $0x1  }
0xc9: {  	[tilespmem:v4+s3+$0x0] =	vst.idx.add.f32.msk vm14, v2  }
0xca: {  	s1 =	sadd.s32 $0x200, s1;
	[tilespmem:v5+s3+$0x0] =	vst.idx.add.f32.msk vm15, v3  }
0xcb: {  	s30 =	sadd.s32 $0x1, s30  }
0xcc: {  	p1 =	sne.s32 s30, $0x61C  }
.Ltmp5:
0xcd: {  	_ = 	snop;
	(pc) =	sbr.rel @p1 .LBB2_3-.Ltmp5, $1  }
0xce: {  	_ =	sdelay $0x3  }
.Ltmp6:
0xcf: {  	(pc) =	sbr.rel .LBB2_12-.Ltmp6, $4  }
0xd0: {  	[hbm4b:s15+s3] =	stream.linear.scatter [tilespmem:s3], [sflag:$0x5], $0x6400, $0x38;
	[tilespmem:$0x1FC00] =	vst v63  }
0xd1: {  	_ =	swait.ge [sflag:s19], $0x6400  }
0xd2: {  	[sflag:s19] =	ssyncset.done $0x0  }
0xd3: {  	[sflag:s19] =	ssyncadd.s32 $0xFFFF9C00  }
.LBB2_9:
0xd4: {  	[tilespmem:s18], [sflag:$0x5] =	stream.linear.gather [hbm4b:s6+s3], $0x19000, $0x38;
	[tilespmem:$0x1FC00] =	vst v63  }
0xd5: {  	_ =	swait.ge [sflag:s19], $0x19000  }
0xd6: {  	[sflag:s19] =	ssyncset.done $0x0  }
0xd7: {  	s0 =	rddreg [dreg:$0x3];
	[sflag:s19] =	ssyncadd.s32 $0xFFFE7000  }
0xd8: {  	[tilespmem:s20], [sflag:$0x1] =	stream.linear.gather [hbm4b:s0+s3], $0x200, $0x38;
	[tilespmem:$0x1FC00] =	vst v63  }
0xd9: {  	s29 =	simm.s32 $0xFFF9E400  }
0xda: {  	[tilespmem:s21], [sflag:$0x2] =	stream.linear.gather [hbm4b:s8+s3], $0x200, $0x38;
	[tilespmem:$0x1FC00] =	vst v63  }
.LBB2_10:
0xdb: {  	s0 =	sadd.s32 s29, s17  }
0xdc: {  	s0 =	sadd.s32 $0xFF737E00, s0  }
0xdd: {  	s0 =	sshrl.u32 s0, $0x3  }
0xde: {  	s1 =	sadd.s32 s2, s0  }
0xdf: {  	[tilespmem:s22], [sflag:$0x3] =	stream.linear.gather [hbm4b:s1+s3], $0x200, $0x38;
	[tilespmem:$0x1FC00] =	vst v63  }
0xe0: {  	s0 =	sadd.s32 s5, s0  }
0xe1: {  	[tilespmem:s23], [sflag:$0x4] =	stream.linear.gather [hbm4b:s0+s3], $0x200, $0x38;
	[tilespmem:$0x1FC00] =	vst v63  }
0xe2: {  	_ =	swait.ge [sflag:s4], $0x200  }
0xe3: {  	[sflag:s4] =	ssyncset.done $0x0  }
0xe4: {  	[sflag:s4] =	ssyncadd.s32 $0xFFFFFE00  }
0xe5: {  	_ =	swait.ge [sflag:s24], $0x200  }
0xe6: {  	[sflag:s24] =	ssyncset.done $0x0  }
0xe7: {  	[sflag:s24] =	ssyncadd.s32 $0xFFFFFE00  }
0xe8: {  	v2 =	vld [tilespmem:$0x1F800]  }
0xe9: {  	v3 =	vld [tilespmem:$0x1F400];
	_ =	sdelay $0x6  }
0xea: {  	[tilespmem:v2+s18+$0x0] =	vst.idx.add.f32.msk $0xffff, v1  }
0xeb: {  	[tilespmem:v3+s18+$0x0] =	vst.idx.add.f32.msk $0xffff, v1  }
0xec: {  	v2 =	vld [tilespmem:$0x1F810]  }
0xed: {  	v3 =	vld [tilespmem:$0x1F410];
	_ =	sdelay $0x6  }
0xee: {  	[tilespmem:v2+s18+$0x0] =	vst.idx.add.f32.msk $0xffff, v1  }
0xef: {  	[tilespmem:v3+s18+$0x0] =	vst.idx.add.f32.msk $0xffff, v1  }
0xf0: {  	v2 =	vld [tilespmem:$0x1F820]  }
0xf1: {  	v3 =	vld [tilespmem:$0x1F420];
	_ =	sdelay $0x6  }
0xf2: {  	[tilespmem:v2+s18+$0x0] =	vst.idx.add.f32.msk $0xffff, v1  }
0xf3: {  	[tilespmem:v3+s18+$0x0] =	vst.idx.add.f32.msk $0xffff, v1  }
0xf4: {  	v2 =	vld [tilespmem:$0x1F830]  }
0xf5: {  	v3 =	vld [tilespmem:$0x1F430];
	_ =	sdelay $0x6  }
0xf6: {  	[tilespmem:v2+s18+$0x0] =	vst.idx.add.f32.msk $0xffff, v1  }
0xf7: {  	[tilespmem:v3+s18+$0x0] =	vst.idx.add.f32.msk $0xffff, v1  }
0xf8: {  	v2 =	vld [tilespmem:$0x1F840]  }
0xf9: {  	v3 =	vld [tilespmem:$0x1F440];
	_ =	sdelay $0x6  }
0xfa: {  	[tilespmem:v2+s18+$0x0] =	vst.idx.add.f32.msk $0xffff, v1  }
0xfb: {  	[tilespmem:v3+s18+$0x0] =	vst.idx.add.f32.msk $0xffff, v1  }
0xfc: {  	v2 =	vld [tilespmem:$0x1F850]  }
0xfd: {  	v3 =	vld [tilespmem:$0x1F450];
	_ =	sdelay $0x6  }
0xfe: {  	[tilespmem:v2+s18+$0x0] =	vst.idx.add.f32.msk $0xffff, v1  }
0xff: {  	[tilespmem:v3+s18+$0x0] =	vst.idx.add.f32.msk $0xffff, v1  }
0x100: {  	v2 =	vld [tilespmem:$0x1F860]  }
0x101: {  	v3 =	vld [tilespmem:$0x1F460];
	_ =	sdelay $0x6  }
0x102: {  	[tilespmem:v2+s18+$0x0] =	vst.idx.add.f32.msk $0xffff, v1  }
0x103: {  	[tilespmem:v3+s18+$0x0] =	vst.idx.add.f32.msk $0xffff, v1  }
0x104: {  	v2 =	vld [tilespmem:$0x1F870]  }
0x105: {  	v3 =	vld [tilespmem:$0x1F470];
	_ =	sdelay $0x6  }
0x106: {  	[tilespmem:v2+s18+$0x0] =	vst.idx.add.f32.msk $0xffff, v1  }
0x107: {  	[tilespmem:v3+s18+$0x0] =	vst.idx.add.f32.msk $0xffff, v1  }
0x108: {  	v2 =	vld [tilespmem:$0x1F880]  }
0x109: {  	v3 =	vld [tilespmem:$0x1F480];
	_ =	sdelay $0x6  }
0x10a: {  	[tilespmem:v2+s18+$0x0] =	vst.idx.add.f32.msk $0xffff, v1  }
0x10b: {  	[tilespmem:v3+s18+$0x0] =	vst.idx.add.f32.msk $0xffff, v1  }
0x10c: {  	v2 =	vld [tilespmem:$0x1F890]  }
0x10d: {  	v3 =	vld [tilespmem:$0x1F490];
	_ =	sdelay $0x6  }
0x10e: {  	[tilespmem:v2+s18+$0x0] =	vst.idx.add.f32.msk $0xffff, v1  }
0x10f: {  	[tilespmem:v3+s18+$0x0] =	vst.idx.add.f32.msk $0xffff, v1  }
0x110: {  	v2 =	vld [tilespmem:$0x1F8A0]  }
0x111: {  	v3 =	vld [tilespmem:$0x1F4A0];
	_ =	sdelay $0x6  }
0x112: {  	[tilespmem:v2+s18+$0x0] =	vst.idx.add.f32.msk $0xffff, v1  }
0x113: {  	[tilespmem:v3+s18+$0x0] =	vst.idx.add.f32.msk $0xffff, v1  }
0x114: {  	v2 =	vld [tilespmem:$0x1F8B0]  }
0x115: {  	v3 =	vld [tilespmem:$0x1F4B0];
	_ =	sdelay $0x6  }
0x116: {  	[tilespmem:v2+s18+$0x0] =	vst.idx.add.f32.msk $0xffff, v1  }
0x117: {  	[tilespmem:v3+s18+$0x0] =	vst.idx.add.f32.msk $0xffff, v1  }
0x118: {  	v2 =	vld [tilespmem:$0x1F8C0]  }
0x119: {  	v3 =	vld [tilespmem:$0x1F4C0];
	_ =	sdelay $0x6  }
0x11a: {  	[tilespmem:v2+s18+$0x0] =	vst.idx.add.f32.msk $0xffff, v1  }
0x11b: {  	[tilespmem:v3+s18+$0x0] =	vst.idx.add.f32.msk $0xffff, v1  }
0x11c: {  	v2 =	vld [tilespmem:$0x1F8D0]  }
0x11d: {  	v3 =	vld [tilespmem:$0x1F4D0];
	_ =	sdelay $0x6  }
0x11e: {  	[tilespmem:v2+s18+$0x0] =	vst.idx.add.f32.msk $0xffff, v1  }
0x11f: {  	[tilespmem:v3+s18+$0x0] =	vst.idx.add.f32.msk $0xffff, v1  }
0x120: {  	v2 =	vld [tilespmem:$0x1F8E0]  }
0x121: {  	v3 =	vld [tilespmem:$0x1F4E0];
	_ =	sdelay $0x6  }
0x122: {  	[tilespmem:v2+s18+$0x0] =	vst.idx.add.f32.msk $0xffff, v1  }
0x123: {  	[tilespmem:v3+s18+$0x0] =	vst.idx.add.f32.msk $0xffff, v1  }
0x124: {  	v2 =	vld [tilespmem:$0x1F8F0]  }
0x125: {  	v3 =	vld [tilespmem:$0x1F4F0];
	_ =	sdelay $0x6  }
0x126: {  	[tilespmem:v2+s18+$0x0] =	vst.idx.add.f32.msk $0xffff, v1  }
0x127: {  	[tilespmem:v3+s18+$0x0] =	vst.idx.add.f32.msk $0xffff, v1  }
0x128: {  	v2 =	vld [tilespmem:$0x1F900]  }
0x129: {  	v3 =	vld [tilespmem:$0x1F500];
	_ =	sdelay $0x6  }
0x12a: {  	[tilespmem:v2+s18+$0x0] =	vst.idx.add.f32.msk $0xffff, v1  }
0x12b: {  	[tilespmem:v3+s18+$0x0] =	vst.idx.add.f32.msk $0xffff, v1  }
0x12c: {  	v2 =	vld [tilespmem:$0x1F910]  }
0x12d: {  	v3 =	vld [tilespmem:$0x1F510];
	_ =	sdelay $0x6  }
0x12e: {  	[tilespmem:v2+s18+$0x0] =	vst.idx.add.f32.msk $0xffff, v1  }
0x12f: {  	[tilespmem:v3+s18+$0x0] =	vst.idx.add.f32.msk $0xffff, v1  }
0x130: {  	v2 =	vld [tilespmem:$0x1F920]  }
0x131: {  	v3 =	vld [tilespmem:$0x1F520];
	_ =	sdelay $0x6  }
0x132: {  	[tilespmem:v2+s18+$0x0] =	vst.idx.add.f32.msk $0xffff, v1  }
0x133: {  	[tilespmem:v3+s18+$0x0] =	vst.idx.add.f32.msk $0xffff, v1  }
0x134: {  	v2 =	vld [tilespmem:$0x1F930]  }
0x135: {  	v3 =	vld [tilespmem:$0x1F530];
	_ =	sdelay $0x6  }
0x136: {  	[tilespmem:v2+s18+$0x0] =	vst.idx.add.f32.msk $0xffff, v1  }
0x137: {  	[tilespmem:v3+s18+$0x0] =	vst.idx.add.f32.msk $0xffff, v1  }
0x138: {  	v2 =	vld [tilespmem:$0x1F940]  }
0x139: {  	v3 =	vld [tilespmem:$0x1F540];
	_ =	sdelay $0x6  }
0x13a: {  	[tilespmem:v2+s18+$0x0] =	vst.idx.add.f32.msk $0xffff, v1  }
0x13b: {  	[tilespmem:v3+s18+$0x0] =	vst.idx.add.f32.msk $0xffff, v1  }
0x13c: {  	v2 =	vld [tilespmem:$0x1F950]  }
0x13d: {  	v3 =	vld [tilespmem:$0x1F550];
	_ =	sdelay $0x6  }
0x13e: {  	[tilespmem:v2+s18+$0x0] =	vst.idx.add.f32.msk $0xffff, v1  }
0x13f: {  	[tilespmem:v3+s18+$0x0] =	vst.idx.add.f32.msk $0xffff, v1  }
0x140: {  	v2 =	vld [tilespmem:$0x1F960]  }
0x141: {  	v3 =	vld [tilespmem:$0x1F560];
	_ =	sdelay $0x6  }
0x142: {  	[tilespmem:v2+s18+$0x0] =	vst.idx.add.f32.msk $0xffff, v1  }
0x143: {  	[tilespmem:v3+s18+$0x0] =	vst.idx.add.f32.msk $0xffff, v1  }
0x144: {  	v2 =	vld [tilespmem:$0x1F970]  }
0x145: {  	v3 =	vld [tilespmem:$0x1F570];
	_ =	sdelay $0x6  }
0x146: {  	[tilespmem:v2+s18+$0x0] =	vst.idx.add.f32.msk $0xffff, v1  }
0x147: {  	[tilespmem:v3+s18+$0x0] =	vst.idx.add.f32.msk $0xffff, v1  }
0x148: {  	v2 =	vld [tilespmem:$0x1F980]  }
0x149: {  	v3 =	vld [tilespmem:$0x1F580];
	_ =	sdelay $0x6  }
0x14a: {  	[tilespmem:v2+s18+$0x0] =	vst.idx.add.f32.msk $0xffff, v1  }
0x14b: {  	[tilespmem:v3+s18+$0x0] =	vst.idx.add.f32.msk $0xffff, v1  }
0x14c: {  	v2 =	vld [tilespmem:$0x1F990]  }
0x14d: {  	v3 =	vld [tilespmem:$0x1F590];
	_ =	sdelay $0x6  }
0x14e: {  	[tilespmem:v2+s18+$0x0] =	vst.idx.add.f32.msk $0xffff, v1  }
0x14f: {  	[tilespmem:v3+s18+$0x0] =	vst.idx.add.f32.msk $0xffff, v1  }
0x150: {  	v2 =	vld [tilespmem:$0x1F9A0]  }
0x151: {  	v3 =	vld [tilespmem:$0x1F5A0];
	_ =	sdelay $0x6  }
0x152: {  	[tilespmem:v2+s18+$0x0] =	vst.idx.add.f32.msk $0xffff, v1  }
0x153: {  	[tilespmem:v3+s18+$0x0] =	vst.idx.add.f32.msk $0xffff, v1  }
0x154: {  	v2 =	vld [tilespmem:$0x1F9B0]  }
0x155: {  	v3 =	vld [tilespmem:$0x1F5B0];
	_ =	sdelay $0x6  }
0x156: {  	[tilespmem:v2+s18+$0x0] =	vst.idx.add.f32.msk $0xffff, v1  }
0x157: {  	[tilespmem:v3+s18+$0x0] =	vst.idx.add.f32.msk $0xffff, v1  }
0x158: {  	v2 =	vld [tilespmem:$0x1F9C0]  }
0x159: {  	v3 =	vld [tilespmem:$0x1F5C0];
	_ =	sdelay $0x6  }
0x15a: {  	[tilespmem:v2+s18+$0x0] =	vst.idx.add.f32.msk $0xffff, v1  }
0x15b: {  	[tilespmem:v3+s18+$0x0] =	vst.idx.add.f32.msk $0xffff, v1  }
0x15c: {  	v2 =	vld [tilespmem:$0x1F9D0]  }
0x15d: {  	v3 =	vld [tilespmem:$0x1F5D0];
	_ =	sdelay $0x6  }
0x15e: {  	[tilespmem:v2+s18+$0x0] =	vst.idx.add.f32.msk $0xffff, v1  }
0x15f: {  	[tilespmem:v3+s18+$0x0] =	vst.idx.add.f32.msk $0xffff, v1  }
0x160: {  	v2 =	vld [tilespmem:$0x1F9E0]  }
0x161: {  	v3 =	vld [tilespmem:$0x1F5E0];
	_ =	sdelay $0x6  }
0x162: {  	[tilespmem:v2+s18+$0x0] =	vst.idx.add.f32.msk $0xffff, v1  }
0x163: {  	[tilespmem:v3+s18+$0x0] =	vst.idx.add.f32.msk $0xffff, v1  }
0x164: {  	v2 =	vld [tilespmem:$0x1F9F0]  }
0x165: {  	v3 =	vld [tilespmem:$0x1F5F0];
	_ =	sdelay $0x3  }
0x166: {  	p1 =	seq.s32 s29, $0xFFFFFC00  }
0x167: {  	s0 =	sadd.s32 @!p1 s29, s17  }
0x168: {  	s0 =	sadd.s32 @!p1 $0xFF738000, s0  }
0x169: {  	s0 =	sshrl.u32 @!p1 s0, $0x3;
	[tilespmem:v2+s18+$0x0] =	vst.idx.add.f32.msk $0xffff, v1  }
0x16a: {  	s7 =	simm.s32 @!p1 $0x0;
	s30 =	simm.s32 @!p1 $0x1F800;
	s1 =	sadd.s32 @!p1 s2, s0;
	[tilespmem:v3+s18+$0x0] =	vst.idx.add.f32.msk $0xffff, v1  }
0x16b: {  	[tilespmem:s30], [sflag:$0x1] =	stream.linear.gather @!p1 [hbm4b:s1+s7], $0x200, $0x38;
	[tilespmem:$0x1FC00] =	vst v63  }
0x16c: {  	s0 =	sadd.s32 @!p1 s5, s0;
	s1 =	simm.s32 @!p1 $0x1F400  }
0x16d: {  	[tilespmem:s1], [sflag:$0x2] =	stream.linear.gather @!p1 [hbm4b:s0+s7], $0x200, $0x38;
	[tilespmem:$0x1FC00] =	vst v63  }
0x16e: {  	_ =	swait.ge [sflag:s25], $0x200  }
0x16f: {  	[sflag:s25] =	ssyncset.done $0x0  }
0x170: {  	[sflag:s25] =	ssyncadd.s32 $0xFFFFFE00  }
0x171: {  	_ =	swait.ge [sflag:s26], $0x200  }
0x172: {  	[sflag:s26] =	ssyncset.done $0x0  }
0x173: {  	[sflag:s26] =	ssyncadd.s32 $0xFFFFFE00  }
0x174: {  	v2 =	vld [tilespmem:$0x1FA00]  }
0x175: {  	v3 =	vld [tilespmem:$0x1F600];
	_ =	sdelay $0x6  }
0x176: {  	[tilespmem:v2+s18+$0x0] =	vst.idx.add.f32.msk $0xffff, v1  }
0x177: {  	[tilespmem:v3+s18+$0x0] =	vst.idx.add.f32.msk $0xffff, v1  }
0x178: {  	v2 =	vld [tilespmem:$0x1FA10]  }
0x179: {  	v3 =	vld [tilespmem:$0x1F610];
	_ =	sdelay $0x6  }
0x17a: {  	[tilespmem:v2+s18+$0x0] =	vst.idx.add.f32.msk $0xffff, v1  }
0x17b: {  	[tilespmem:v3+s18+$0x0] =	vst.idx.add.f32.msk $0xffff, v1  }
0x17c: {  	v2 =	vld [tilespmem:$0x1FA20]  }
0x17d: {  	v3 =	vld [tilespmem:$0x1F620];
	_ =	sdelay $0x6  }
0x17e: {  	[tilespmem:v2+s18+$0x0] =	vst.idx.add.f32.msk $0xffff, v1  }
0x17f: {  	[tilespmem:v3+s18+$0x0] =	vst.idx.add.f32.msk $0xffff, v1  }
0x180: {  	v2 =	vld [tilespmem:$0x1FA30]  }
0x181: {  	v3 =	vld [tilespmem:$0x1F630];
	_ =	sdelay $0x6  }
0x182: {  	[tilespmem:v2+s18+$0x0] =	vst.idx.add.f32.msk $0xffff, v1  }
0x183: {  	[tilespmem:v3+s18+$0x0] =	vst.idx.add.f32.msk $0xffff, v1  }
0x184: {  	v2 =	vld [tilespmem:$0x1FA40]  }
0x185: {  	v3 =	vld [tilespmem:$0x1F640];
	_ =	sdelay $0x6  }
0x186: {  	[tilespmem:v2+s18+$0x0] =	vst.idx.add.f32.msk $0xffff, v1  }
0x187: {  	[tilespmem:v3+s18+$0x0] =	vst.idx.add.f32.msk $0xffff, v1  }
0x188: {  	v2 =	vld [tilespmem:$0x1FA50]  }
0x189: {  	v3 =	vld [tilespmem:$0x1F650];
	_ =	sdelay $0x6  }
0x18a: {  	[tilespmem:v2+s18+$0x0] =	vst.idx.add.f32.msk $0xffff, v1  }
0x18b: {  	[tilespmem:v3+s18+$0x0] =	vst.idx.add.f32.msk $0xffff, v1  }
0x18c: {  	v2 =	vld [tilespmem:$0x1FA60]  }
0x18d: {  	v3 =	vld [tilespmem:$0x1F660];
	_ =	sdelay $0x6  }
0x18e: {  	[tilespmem:v2+s18+$0x0] =	vst.idx.add.f32.msk $0xffff, v1  }
0x18f: {  	[tilespmem:v3+s18+$0x0] =	vst.idx.add.f32.msk $0xffff, v1  }
0x190: {  	v2 =	vld [tilespmem:$0x1FA70]  }
0x191: {  	v3 =	vld [tilespmem:$0x1F670];
	_ =	sdelay $0x6  }
0x192: {  	[tilespmem:v2+s18+$0x0] =	vst.idx.add.f32.msk $0xffff, v1  }
0x193: {  	[tilespmem:v3+s18+$0x0] =	vst.idx.add.f32.msk $0xffff, v1  }
0x194: {  	v2 =	vld [tilespmem:$0x1FA80]  }
0x195: {  	v3 =	vld [tilespmem:$0x1F680];
	_ =	sdelay $0x6  }
0x196: {  	[tilespmem:v2+s18+$0x0] =	vst.idx.add.f32.msk $0xffff, v1  }
0x197: {  	[tilespmem:v3+s18+$0x0] =	vst.idx.add.f32.msk $0xffff, v1  }
0x198: {  	v2 =	vld [tilespmem:$0x1FA90]  }
0x199: {  	v3 =	vld [tilespmem:$0x1F690];
	_ =	sdelay $0x6  }
0x19a: {  	[tilespmem:v2+s18+$0x0] =	vst.idx.add.f32.msk $0xffff, v1  }
0x19b: {  	[tilespmem:v3+s18+$0x0] =	vst.idx.add.f32.msk $0xffff, v1  }
0x19c: {  	v2 =	vld [tilespmem:$0x1FAA0]  }
0x19d: {  	v3 =	vld [tilespmem:$0x1F6A0];
	_ =	sdelay $0x6  }
0x19e: {  	[tilespmem:v2+s18+$0x0] =	vst.idx.add.f32.msk $0xffff, v1  }
0x19f: {  	[tilespmem:v3+s18+$0x0] =	vst.idx.add.f32.msk $0xffff, v1  }
0x1a0: {  	v2 =	vld [tilespmem:$0x1FAB0]  }
0x1a1: {  	v3 =	vld [tilespmem:$0x1F6B0];
	_ =	sdelay $0x6  }
0x1a2: {  	[tilespmem:v2+s18+$0x0] =	vst.idx.add.f32.msk $0xffff, v1  }
0x1a3: {  	[tilespmem:v3+s18+$0x0] =	vst.idx.add.f32.msk $0xffff, v1  }
0x1a4: {  	v2 =	vld [tilespmem:$0x1FAC0]  }
0x1a5: {  	v3 =	vld [tilespmem:$0x1F6C0];
	_ =	sdelay $0x6  }
0x1a6: {  	[tilespmem:v2+s18+$0x0] =	vst.idx.add.f32.msk $0xffff, v1  }
0x1a7: {  	[tilespmem:v3+s18+$0x0] =	vst.idx.add.f32.msk $0xffff, v1  }
0x1a8: {  	v2 =	vld [tilespmem:$0x1FAD0]  }
0x1a9: {  	v3 =	vld [tilespmem:$0x1F6D0];
	_ =	sdelay $0x6  }
0x1aa: {  	[tilespmem:v2+s18+$0x0] =	vst.idx.add.f32.msk $0xffff, v1  }
0x1ab: {  	[tilespmem:v3+s18+$0x0] =	vst.idx.add.f32.msk $0xffff, v1  }
0x1ac: {  	v2 =	vld [tilespmem:$0x1FAE0]  }
0x1ad: {  	v3 =	vld [tilespmem:$0x1F6E0];
	_ =	sdelay $0x6  }
0x1ae: {  	[tilespmem:v2+s18+$0x0] =	vst.idx.add.f32.msk $0xffff, v1  }
0x1af: {  	[tilespmem:v3+s18+$0x0] =	vst.idx.add.f32.msk $0xffff, v1  }
0x1b0: {  	v2 =	vld [tilespmem:$0x1FAF0]  }
0x1b1: {  	v3 =	vld [tilespmem:$0x1F6F0];
	_ =	sdelay $0x6  }
0x1b2: {  	[tilespmem:v2+s18+$0x0] =	vst.idx.add.f32.msk $0xffff, v1  }
0x1b3: {  	[tilespmem:v3+s18+$0x0] =	vst.idx.add.f32.msk $0xffff, v1  }
0x1b4: {  	v2 =	vld [tilespmem:$0x1FB00]  }
0x1b5: {  	v3 =	vld [tilespmem:$0x1F700];
	_ =	sdelay $0x6  }
0x1b6: {  	[tilespmem:v2+s18+$0x0] =	vst.idx.add.f32.msk $0xffff, v1  }
0x1b7: {  	[tilespmem:v3+s18+$0x0] =	vst.idx.add.f32.msk $0xffff, v1  }
0x1b8: {  	v2 =	vld [tilespmem:$0x1FB10]  }
0x1b9: {  	v3 =	vld [tilespmem:$0x1F710];
	_ =	sdelay $0x6  }
0x1ba: {  	[tilespmem:v2+s18+$0x0] =	vst.idx.add.f32.msk $0xffff, v1  }
0x1bb: {  	[tilespmem:v3+s18+$0x0] =	vst.idx.add.f32.msk $0xffff, v1  }
0x1bc: {  	v2 =	vld [tilespmem:$0x1FB20]  }
0x1bd: {  	v3 =	vld [tilespmem:$0x1F720];
	_ =	sdelay $0x6  }
0x1be: {  	[tilespmem:v2+s18+$0x0] =	vst.idx.add.f32.msk $0xffff, v1  }
0x1bf: {  	[tilespmem:v3+s18+$0x0] =	vst.idx.add.f32.msk $0xffff, v1  }
0x1c0: {  	v2 =	vld [tilespmem:$0x1FB30]  }
0x1c1: {  	v3 =	vld [tilespmem:$0x1F730];
	_ =	sdelay $0x6  }
0x1c2: {  	[tilespmem:v2+s18+$0x0] =	vst.idx.add.f32.msk $0xffff, v1  }
0x1c3: {  	[tilespmem:v3+s18+$0x0] =	vst.idx.add.f32.msk $0xffff, v1  }
0x1c4: {  	v2 =	vld [tilespmem:$0x1FB40]  }
0x1c5: {  	v3 =	vld [tilespmem:$0x1F740];
	_ =	sdelay $0x6  }
0x1c6: {  	[tilespmem:v2+s18+$0x0] =	vst.idx.add.f32.msk $0xffff, v1  }
0x1c7: {  	[tilespmem:v3+s18+$0x0] =	vst.idx.add.f32.msk $0xffff, v1  }
0x1c8: {  	v2 =	vld [tilespmem:$0x1FB50]  }
0x1c9: {  	v3 =	vld [tilespmem:$0x1F750];
	_ =	sdelay $0x6  }
0x1ca: {  	[tilespmem:v2+s18+$0x0] =	vst.idx.add.f32.msk $0xffff, v1  }
0x1cb: {  	[tilespmem:v3+s18+$0x0] =	vst.idx.add.f32.msk $0xffff, v1  }
0x1cc: {  	v2 =	vld [tilespmem:$0x1FB60]  }
0x1cd: {  	v3 =	vld [tilespmem:$0x1F760];
	_ =	sdelay $0x6  }
0x1ce: {  	[tilespmem:v2+s18+$0x0] =	vst.idx.add.f32.msk $0xffff, v1  }
0x1cf: {  	[tilespmem:v3+s18+$0x0] =	vst.idx.add.f32.msk $0xffff, v1  }
0x1d0: {  	v2 =	vld [tilespmem:$0x1FB70]  }
0x1d1: {  	v3 =	vld [tilespmem:$0x1F770];
	_ =	sdelay $0x6  }
0x1d2: {  	[tilespmem:v2+s18+$0x0] =	vst.idx.add.f32.msk $0xffff, v1  }
0x1d3: {  	[tilespmem:v3+s18+$0x0] =	vst.idx.add.f32.msk $0xffff, v1  }
0x1d4: {  	v2 =	vld [tilespmem:$0x1FB80]  }
0x1d5: {  	v3 =	vld [tilespmem:$0x1F780];
	_ =	sdelay $0x6  }
0x1d6: {  	[tilespmem:v2+s18+$0x0] =	vst.idx.add.f32.msk $0xffff, v1  }
0x1d7: {  	[tilespmem:v3+s18+$0x0] =	vst.idx.add.f32.msk $0xffff, v1  }
0x1d8: {  	v2 =	vld [tilespmem:$0x1FB90]  }
0x1d9: {  	v3 =	vld [tilespmem:$0x1F790];
	_ =	sdelay $0x6  }
0x1da: {  	[tilespmem:v2+s18+$0x0] =	vst.idx.add.f32.msk $0xffff, v1  }
0x1db: {  	[tilespmem:v3+s18+$0x0] =	vst.idx.add.f32.msk $0xffff, v1  }
0x1dc: {  	v2 =	vld [tilespmem:$0x1FBA0]  }
0x1dd: {  	v3 =	vld [tilespmem:$0x1F7A0];
	_ =	sdelay $0x6  }
0x1de: {  	[tilespmem:v2+s18+$0x0] =	vst.idx.add.f32.msk $0xffff, v1  }
0x1df: {  	[tilespmem:v3+s18+$0x0] =	vst.idx.add.f32.msk $0xffff, v1  }
0x1e0: {  	v2 =	vld [tilespmem:$0x1FBB0]  }
0x1e1: {  	v3 =	vld [tilespmem:$0x1F7B0];
	_ =	sdelay $0x6  }
0x1e2: {  	[tilespmem:v2+s18+$0x0] =	vst.idx.add.f32.msk $0xffff, v1  }
0x1e3: {  	[tilespmem:v3+s18+$0x0] =	vst.idx.add.f32.msk $0xffff, v1  }
0x1e4: {  	v2 =	vld [tilespmem:$0x1FBC0]  }
0x1e5: {  	v3 =	vld [tilespmem:$0x1F7C0];
	_ =	sdelay $0x6  }
0x1e6: {  	[tilespmem:v2+s18+$0x0] =	vst.idx.add.f32.msk $0xffff, v1  }
0x1e7: {  	[tilespmem:v3+s18+$0x0] =	vst.idx.add.f32.msk $0xffff, v1  }
0x1e8: {  	v2 =	vld [tilespmem:$0x1FBD0]  }
0x1e9: {  	v3 =	vld [tilespmem:$0x1F7D0];
	_ =	sdelay $0x6  }
0x1ea: {  	[tilespmem:v2+s18+$0x0] =	vst.idx.add.f32.msk $0xffff, v1  }
0x1eb: {  	[tilespmem:v3+s18+$0x0] =	vst.idx.add.f32.msk $0xffff, v1  }
0x1ec: {  	v2 =	vld [tilespmem:$0x1FBE0]  }
0x1ed: {  	v3 =	vld [tilespmem:$0x1F7E0];
	_ =	sdelay $0x6  }
0x1ee: {  	[tilespmem:v2+s18+$0x0] =	vst.idx.add.f32.msk $0xffff, v1  }
0x1ef: {  	[tilespmem:v3+s18+$0x0] =	vst.idx.add.f32.msk $0xffff, v1  }
0x1f0: {  	v2 =	vld [tilespmem:$0x1FBF0]  }
0x1f1: {  	v3 =	vld [tilespmem:$0x1F7F0];
	_ =	sdelay $0x1  }
0x1f2: {  	s29 =	sadd.s32 $0x400, s29  }
0x1f3: {  	p1 =	sne.s32 s29, $0x0  }
.Ltmp7:
0x1f4: {  	_ = 	snop;
	(pc) =	sbr.rel @p1 .LBB2_10-.Ltmp7, $3  }
0x1f5: {  	_ =	sdelay $0x1  }
0x1f6: {  	[tilespmem:v2+s18+$0x0] =	vst.idx.add.f32.msk $0xffff, v1  }
0x1f7: {  	[tilespmem:v3+s18+$0x0] =	vst.idx.add.f32.msk $0xffff, v1  }
.Ltmp8:
0x1f8: {  	(pc) =	sbr.rel .LBB2_12-.Ltmp8, $4  }
0x1f9: {  	[hbm4b:s9+s3] =	stream.linear.scatter [tilespmem:s18], [sflag:$0x5], $0x19000, $0x38;
	[tilespmem:$0x1FC00] =	vst v63  }
0x1fa: {  	_ =	swait.ge [sflag:s19], $0x19000  }
0x1fb: {  	[sflag:s19] =	ssyncset.done $0x0  }
0x1fc: {  	[sflag:s19] =	ssyncadd.s32 $0xFFFE7000  }
.LBB2_13:
0x1fd: {  	_ =	sfence.sel $0x180000  }
0x1fe: {  	[bflag:$0x0] =	sbarrier.arrive $0xFFFF  }
0x1ff: {  	_ =	strace $0x90000047  }
0x200: {  	s0 =	stileid.u32;
	[bflag:$0x2] =	sbarrier.arrive $0xFFFF  }
0x201: {  	p0 =	sne.s32 s0, $0x0;
	s0 =	rddreg [dreg:$0x2]  }
0x202: {  	s0 =	sadd.s32 @!p0 $0x100000, s0  }
0x203: {  	[sflag:s0] =	ssyncadd.tile.s32 @!p0 $0x1;
	_ =	shalt  }
.Lfunc_end2:
_tile_overlayer_lowered:
.L_overlay_start_2:
0x204: {  	(tag) =	ssettag $0x2  }
0x205: {  	s0 =	rddreg [dreg:$0x0];
	s2 =	stileid.u32  }
0x206: {  	s1 =	rddreg [dreg:$0x1];
	p0 =	sne.s32 s2, $0x0  }
0x207: {  	s3 =	rddreg [dreg:$0x2];
	[bflag:$0x3] =	sbarrier.arrive $0xFFFF;
	s2 =	simm.s32 @!p0 $0x1C05  }
0x208: {  	[timem:s3], [sflag:s2] =	dma.local @!p0 [hbm:s0], s1  }
0x209: {  	s0 =	simm.s32 @!p0 $0x5  }
0x20a: {  	_ =	swait.ge @!p0 [sflag:s0], s1  }
0x20b: {  	s1 =	ssub.s32 @!p0 $0x0, s1;
	[sflag:s0] =	ssyncset.done @!p0 $0x0  }
0x20c: {  	[sflag:s0] =	ssyncadd.s32 @!p0 s1  }
0x20d: {  	[bflag:$0x3] =	sbarrier.arrive $0xFFFF  }
0x20e: {  	_ =	shalt  }

</sc_bundles>
